<compile_context>
chip_gen: v7x
topology: tpu7x:2x2x1
jax: 0.10.2.dev20260603
libtpu: 0.0.44.dev20260713+nightly
codegen_flags: <defaults>
</compile_context>

<pallas_src>
import functools

import jax
import jax.numpy as jnp
from jax import lax
from jax.experimental import pallas as pl
from jax.experimental.pallas import tpu as pltpu
from jax.experimental.pallas import tpu_sc as plsc

N = 10000
E = 320000
HID = 64
CHUNK = 128
ROWS = 2560
IB = 16
EPAD = ROWS * CHUNK - E
TRASH = N
NC, NS = 2, 16
NW = NC * NS
RPW = ROWS // NW
RPS = ROWS // NS
NPAD_R = 10400
HPAD = 128
NPAD_D = 10400
BR = 400
GRID = N // BR

@functools.lru_cache(maxsize=None)
def _mesh():
    return plsc.VectorSubcoreMesh(core_axis_name="c", subcore_axis_name="s")



def _deg_body(dst_hbm, z_hbm, deg_hbm, idxv, onesv, acc, sem):
    cid = lax.axis_index("c")
    sid = lax.axis_index("s")

    @pl.when(cid == 0)
    def _():
        pltpu.sync_copy(dst_hbm.at[pl.ds(sid * RPS, RPS)], idxv)
        for i in range(CHUNK // 16):
            onesv[pl.ds(i * 16, 16)] = jnp.full((16,), 1.0, jnp.float32)

        @pl.when(sid == 0)
        def _z():
            pltpu.sync_copy(z_hbm, acc)

        plsc.subcore_barrier()

        def step(j, c):
            pltpu.sync_copy(onesv, acc.at[idxv.at[j]], add=True)
            return c

        lax.fori_loop(0, RPS, step, 0)
        plsc.subcore_barrier()

        @pl.when(sid == 0)
        def _o():
            pltpu.sync_copy(acc, deg_hbm)


def _deg_call(dst2d, zdeg):
    return pl.kernel(
        _deg_body,
        out_type=jax.ShapeDtypeStruct((NPAD_D,), jnp.float32),
        mesh=_mesh(),
        scratch_types=[
            pltpu.VMEM((RPS, CHUNK), jnp.int32),
            pltpu.VMEM((CHUNK,), jnp.float32),
            pltpu.VMEM_SHARED((NPAD_D,), jnp.float32),
            pltpu.SemaphoreType.DMA,
        ],
    )(dst2d, zdeg)


RPW_A = 112
RPW_B = 48


def _scat_body(h_hbm, src_hbm, dst_hbm, z_hbm, out_hbm,
               srcv, dstv, buf0, buf1, acc, sem0, sem1):
    cid = lax.axis_index("c")
    sid = lax.axis_index("s")
    nst = jnp.where(cid == 0, RPW_A // IB, RPW_B // IB)
    base = jnp.where(cid == 0, sid * RPW_A, NS * RPW_A + sid * RPW_B)

    @pl.when(sid == 0)
    def _z():
        pltpu.sync_copy(z_hbm, acc)

    plsc.subcore_barrier()

    def stage(s, cs):
        r0 = base + s * IB
        pltpu.sync_copy(src_hbm.at[pl.ds(r0, IB)], srcv)
        pltpu.sync_copy(dst_hbm.at[pl.ds(r0, IB)], dstv)
        pltpu.async_copy(h_hbm.at[srcv.at[0]], buf0, sem0)

        def step(i, c):
            j0 = 2 * i
            pltpu.make_async_copy(h_hbm.at[srcv.at[j0]], buf0, sem0).wait()
            pltpu.async_copy(h_hbm.at[srcv.at[j0 + 1]], buf1, sem1)
            pltpu.sync_copy(buf0, acc.at[dstv.at[j0]], add=True)
            pltpu.make_async_copy(h_hbm.at[srcv.at[j0 + 1]], buf1, sem1).wait()

            @pl.when(i < IB // 2 - 1)
            def _pf():
                pltpu.async_copy(h_hbm.at[srcv.at[j0 + 2]], buf0, sem0)

            pltpu.sync_copy(buf1, acc.at[dstv.at[j0 + 1]], add=True)
            return c

        lax.fori_loop(0, IB // 2, step, 0)
        return cs

    lax.fori_loop(0, nst, stage, 0)
    plsc.subcore_barrier()

    @pl.when(sid == 0)
    def _o():
        pltpu.sync_copy(acc, out_hbm.at[cid])


def _scat_call(h, src2d, dst2d, zrows):
    return pl.kernel(
        _scat_body,
        out_type=jax.ShapeDtypeStruct((NC, NPAD_R, HID), jnp.float32),
        mesh=_mesh(),
        compiler_params=pltpu.CompilerParams(use_tc_tiling_on_sc=False),
        scratch_types=[
            pltpu.VMEM((IB, CHUNK), jnp.int32),
            pltpu.VMEM((IB, CHUNK), jnp.int32),
            pltpu.VMEM((CHUNK, HID), jnp.float32),
            pltpu.VMEM((CHUNK, HID), jnp.float32),
            pltpu.VMEM_SHARED((NPAD_R, HID), jnp.float32),
            pltpu.SemaphoreType.DMA,
            pltpu.SemaphoreType.DMA,
        ],
    )(h, src2d, dst2d, zrows)



def _mm_body(x_ref, w_ref, o_ref):
    o_ref[...] = jnp.dot(x_ref[...], w_ref[...],
                         preferred_element_type=jnp.float32)


def _mm_call(x, w):
    k = x.shape[1]
    return pl.pallas_call(
        _mm_body,
        grid=(GRID,),
        in_specs=[
            pl.BlockSpec((BR, k), lambda i: (i, 0)),
            pl.BlockSpec((k, HID), lambda i: (0, 0)),
        ],
        out_specs=pl.BlockSpec((BR, HID), lambda i: (i, 0)),
        out_shape=jax.ShapeDtypeStruct((N, HID), jnp.float32),
    )(x, w)


def _d_body(p_ref, deg_ref, hp_ref, dis_ref):
    dis = lax.rsqrt(deg_ref[...] + 1.0)
    dis_ref[...] = dis
    hp_ref[...] = p_ref[...] * dis


def _d_call(p1, degc):
    return pl.pallas_call(
        _d_body,
        grid=(GRID,),
        in_specs=[
            pl.BlockSpec((BR, HID), lambda i: (i, 0)),
            pl.BlockSpec((BR, 1), lambda i: (i, 0)),
        ],
        out_specs=[
            pl.BlockSpec((BR, HID), lambda i: (i, 0)),
            pl.BlockSpec((BR, 1), lambda i: (i, 0)),
        ],
        out_shape=[
            jax.ShapeDtypeStruct((N, HID), jnp.float32),
            jax.ShapeDtypeStruct((N, 1), jnp.float32),
        ],
    )(p1, degc)


def _c1_body(parts_ref, hp_ref, dis_ref, b_ref, w_ref, o_ref):
    s = (parts_ref[0] + parts_ref[1] + hp_ref[...])
    dis = dis_ref[...]
    h = jnp.maximum(dis * s + b_ref[...], 0.0)
    o_ref[...] = dis * jnp.dot(h, w_ref[...],
                               preferred_element_type=jnp.float32)


def _c1_call(parts, hp, dis, b, w):
    return pl.pallas_call(
        _c1_body,
        grid=(GRID,),
        in_specs=[
            pl.BlockSpec((NC, BR, HID), lambda i: (0, i, 0)),
            pl.BlockSpec((BR, HID), lambda i: (i, 0)),
            pl.BlockSpec((BR, 1), lambda i: (i, 0)),
            pl.BlockSpec((1, HID), lambda i: (0, 0)),
            pl.BlockSpec((HID, HID), lambda i: (0, 0)),
        ],
        out_specs=pl.BlockSpec((BR, HID), lambda i: (i, 0)),
        out_shape=jax.ShapeDtypeStruct((N, HID), jnp.float32),
    )(parts, hp, dis, b, w)


def _c2_body(parts_ref, hp_ref, dis_ref, b_ref, fw_ref, fb_ref, o_ref):
    s = (parts_ref[0] + parts_ref[1] + hp_ref[...])
    dis = dis_ref[...]
    h = jnp.maximum(dis * s + b_ref[...], 0.0)
    o_ref[...] = jnp.sum(h * fw_ref[...], axis=1, keepdims=True) + fb_ref[...]


def _c2_call(parts, hp, dis, b, fw, fb):
    return pl.pallas_call(
        _c2_body,
        grid=(GRID,),
        in_specs=[
            pl.BlockSpec((NC, BR, HID), lambda i: (0, i, 0)),
            pl.BlockSpec((BR, HID), lambda i: (i, 0)),
            pl.BlockSpec((BR, 1), lambda i: (i, 0)),
            pl.BlockSpec((1, HID), lambda i: (0, 0)),
            pl.BlockSpec((1, HID), lambda i: (0, 0)),
            pl.BlockSpec((1, 1), lambda i: (0, 0)),
        ],
        out_specs=pl.BlockSpec((BR, 1), lambda i: (i, 0)),
        out_shape=jax.ShapeDtypeStruct((N, 1), jnp.float32),
    )(parts, hp, dis, b, fw, fb)



def kernel(x, edge_index, W1, b1, W2, b2, fc_w, fc_b):
    ei = edge_index.astype(jnp.int32)
    src2d = jnp.concatenate(
        [ei[0], jnp.zeros((EPAD,), jnp.int32)]).reshape(ROWS, CHUNK)
    trash = TRASH + (jnp.arange(EPAD, dtype=jnp.int32) % 384)
    dst2d = jnp.concatenate([ei[1], trash]).reshape(ROWS, CHUNK)
    zdeg = jnp.zeros((NPAD_D,), jnp.float32)
    zrows = jnp.zeros((NPAD_R, HID), jnp.float32)

    deg = _deg_call(dst2d, zdeg)
    p1 = _mm_call(x, W1)
    degc = deg[:N].reshape(N, 1)
    h1p, dis = _d_call(p1, degc)
    parts1 = _scat_call(h1p, src2d, dst2d, zrows)
    h2p = _c1_call(parts1, h1p, dis,
                   b1.reshape(1, HID), W2)
    parts2 = _scat_call(h2p, src2d, dst2d, zrows)
    out = _c2_call(parts2, h2p, dis, b2.reshape(1, HID),
                   fc_w.reshape(1, HID), fc_b.reshape(1, 1))
    return out

# --- scband reference (transcript-rebuilt; emitter-appended) ---
"""Pipeline reference for scband-yelp-gnn-87265145520668 (READ-ONLY COPY).

The authoritative reference and input builder live on the scoring server;
editing this copy changes nothing except your own understanding.
"""

import jax, jax.numpy as jnp
import numpy as np

N_NODES = 10000
N_EDGES = 320000


def gcn_conv(x, edge_index, W, b):
    n = x.shape[0]
    src = edge_index[0]
    dst = edge_index[1]
    loop = jnp.arange(n, dtype=edge_index.dtype)
    src = jnp.concatenate([src, loop])
    dst = jnp.concatenate([dst, loop])
    deg = jnp.zeros((n,), dtype=x.dtype).at[dst].add(1.0)
    deg_inv_sqrt = jnp.where(deg > 0, 1.0 / jnp.sqrt(deg), 0.0)
    norm = deg_inv_sqrt[src] * deg_inv_sqrt[dst]
    h = x @ W
    msg = h[src] * norm[:, None]
    out = jnp.zeros((n, W.shape[1]), dtype=x.dtype).at[dst].add(msg)
    return out + b


def setup_inputs(seed: int = 0) -> dict:
    key = jax.random.key(seed)
    k_x, k_ei, k_w1, k_b1, k_w2, k_b2, k_fw, k_fb = jax.random.split(key, 8)
    x = jax.random.normal(k_x, (N_NODES, 128), dtype=jnp.float32)
    edge_index = jax.random.randint(k_ei, (2, N_EDGES), 0, N_NODES, dtype=jnp.int64)
    hidden = 64
    W1 = jax.random.normal(k_w1, (128, hidden), dtype=jnp.float32) * (1.0 / np.sqrt(128))
    b1 = jnp.zeros((hidden,), dtype=jnp.float32)
    W2 = jax.random.normal(k_w2, (hidden, hidden), dtype=jnp.float32) * (1.0 / np.sqrt(hidden))
    b2 = jnp.zeros((hidden,), dtype=jnp.float32)
    fc_w = jax.random.normal(k_fw, (hidden, 1), dtype=jnp.float32) * (1.0 / np.sqrt(hidden))
    fc_b = jnp.zeros((1,), dtype=jnp.float32)
    return {"x": x, "edge_index": edge_index, "W1": W1, "b1": b1, "W2": W2, "b2": b2, "fc_w": fc_w, "fc_b": fc_b}


def reference(x, edge_index, W1, b1, W2, b2, fc_w, fc_b):
    h = gcn_conv(x, edge_index, W1, b1)
    h = jax.nn.relu(h)
    h = gcn_conv(h, edge_index, W2, b2)
    h = jax.nn.relu(h)
    out = h @ fc_w + fc_b
    return out

if __name__ == "__main__":
    import jax
    _d = setup_inputs()
    print(jax.jit(kernel)(*tuple(_d.values())))

</pallas_src>

<mosaic_0001>
#map = affine_map<(d0, d1) -> (0, 0)>
#map1 = affine_map<(d0, d1) -> (0)>
module attributes {stable_mosaic.version = 14 : i64} {
  func.func @_deg_body(%arg0: i32, %arg1: i32, %arg2: memref<2560x128xi32, #tpu.memory_space<hbm>>, %arg3: memref<10400xf32, #tpu.memory_space<hbm>>, %arg4: memref<10400xf32, #tpu.memory_space<hbm>>, %arg5: memref<160x128xi32, #tpu.memory_space<vmem>>, %arg6: memref<128xf32, #tpu.memory_space<vmem>>, %arg7: memref<10400xf32, #tpu.memory_space<vmem_shared>>, %arg8: memref<!tpu.dma_semaphore, #tpu.memory_space<semaphore_mem>>) attributes {dimension_semantics = [#tpu.dimension_semantics<core_parallel>, #tpu.dimension_semantics<subcore_parallel>], iteration_bounds = array<i64: 2, 16>, scalar_prefetch = 0 : i64, scratch_operands = 4 : i64, tpu.core_type = #tpu.core_type<sc_vector_subcore>, window_params = [{transform_indices = #map}, {transform_indices = #map1}, {transform_indices = #map1}]} {
    %eq3A = arith.constant 0 : i32
    %eq3A_0 = arith.cmpi eq, %arg0, %eq3A : i32
    %convert_element_type3A = arith.extui %eq3A_0 : i1 to i32
    %cond3A = arith.constant 0 : i32
    %cond3A_1 = arith.cmpi ne, %convert_element_type3A, %cond3A : i32
    scf.if %cond3A_1 {
      %mul3A = arith.constant 160 : i32
      %mul3A_2 = arith.muli %arg1, %mul3A : i32
      "tpu.region"() ({
        %run_scoped3A = tpu.sem_alloc : memref<!tpu.dma_semaphore, #tpu.memory_space<semaphore_mem>>
        %dma_start3A = arith.constant 0 : i32
        %dma_start3A_65 = tpu.memref_slice %arg2[%mul3A_2, %dma_start3A] : memref<2560x128xi32, #tpu.memory_space<hbm>> -> memref<160x128xi32, #tpu.memory_space<hbm>>
        %dma_start3A_66 = arith.constant 0 : i32
        %dma_start3A_67 = tpu.memref_slice %arg2[%mul3A_2, %dma_start3A_66] : memref<2560x128xi32, #tpu.memory_space<hbm>> -> memref<160x128xi32, #tpu.memory_space<hbm>>
        tpu.enqueue_dma source(%dma_start3A_67 : memref<160x128xi32, #tpu.memory_space<hbm>>) target(%arg5 : memref<160x128xi32, #tpu.memory_space<vmem>>) target_semaphore(%run_scoped3A : memref<!tpu.dma_semaphore, #tpu.memory_space<semaphore_mem>>)
        %dma_wait3A = arith.constant 0 : i32
        %dma_wait3A_68 = tpu.memref_slice %arg2[%mul3A_2, %dma_wait3A] : memref<2560x128xi32, #tpu.memory_space<hbm>> -> memref<160x128xi32, #tpu.memory_space<hbm>>
        %dma_wait3A_69 = arith.constant 0 : i32
        %dma_wait3A_70 = tpu.memref_slice %arg2[%mul3A_2, %dma_wait3A_69] : memref<2560x128xi32, #tpu.memory_space<hbm>> -> memref<160x128xi32, #tpu.memory_space<hbm>>
        tpu.wait_dma2 semaphore(%run_scoped3A : memref<!tpu.dma_semaphore, #tpu.memory_space<semaphore_mem>>) src(%dma_wait3A_70 : memref<160x128xi32, #tpu.memory_space<hbm>>) dst(%arg5 : memref<160x128xi32, #tpu.memory_space<vmem>>)
        tpu.yield
      }) : () -> ()
      %broadcast_in_dim3A = arith.constant 1.000000e+00 : f32
      %broadcast_in_dim3A_3 = vector.broadcast %broadcast_in_dim3A : f32 to vector<16xf32>
      %swap3A = arith.constant 0 : index
      %swap3A_4 = tpu.vector_load %arg6[%swap3A] {strides = array<i32>} : memref<128xf32, #tpu.memory_space<vmem>>, vector<16xf32>,
      %swap3A_5 = vector.shape_cast %swap3A_4 : vector<16xf32> to vector<16xf32>
      %swap3A_6 = vector.shape_cast %broadcast_in_dim3A_3 : vector<16xf32> to vector<16xf32>
      tpu.vector_store %arg6[%swap3A], %swap3A_6 {strides = array<i32>} : memref<128xf32, #tpu.memory_space<vmem>>, vector<16xf32>,
      %broadcast_in_dim3A_7 = arith.constant 1.000000e+00 : f32
      %broadcast_in_dim3A_8 = vector.broadcast %broadcast_in_dim3A_7 : f32 to vector<16xf32>
      %swap3A_9 = arith.constant 16 : index
      %swap3A_10 = tpu.vector_load %arg6[%swap3A_9] {strides = array<i32>} : memref<128xf32, #tpu.memory_space<vmem>>, vector<16xf32>,
      %swap3A_11 = vector.shape_cast %swap3A_10 : vector<16xf32> to vector<16xf32>
      %swap3A_12 = vector.shape_cast %broadcast_in_dim3A_8 : vector<16xf32> to vector<16xf32>
      tpu.vector_store %arg6[%swap3A_9], %swap3A_12 {strides = array<i32>} : memref<128xf32, #tpu.memory_space<vmem>>, vector<16xf32>,
      %broadcast_in_dim3A_13 = arith.constant 1.000000e+00 : f32
      %broadcast_in_dim3A_14 = vector.broadcast %broadcast_in_dim3A_13 : f32 to vector<16xf32>
      %swap3A_15 = arith.constant 32 : index
      %swap3A_16 = tpu.vector_load %arg6[%swap3A_15] {strides = array<i32>} : memref<128xf32, #tpu.memory_space<vmem>>, vector<16xf32>,
      %swap3A_17 = vector.shape_cast %swap3A_16 : vector<16xf32> to vector<16xf32>
      %swap3A_18 = vector.shape_cast %broadcast_in_dim3A_14 : vector<16xf32> to vector<16xf32>
      tpu.vector_store %arg6[%swap3A_15], %swap3A_18 {strides = array<i32>} : memref<128xf32, #tpu.memory_space<vmem>>, vector<16xf32>,
      %broadcast_in_dim3A_19 = arith.constant 1.000000e+00 : f32
      %broadcast_in_dim3A_20 = vector.broadcast %broadcast_in_dim3A_19 : f32 to vector<16xf32>
      %swap3A_21 = arith.constant 48 : index
      %swap3A_22 = tpu.vector_load %arg6[%swap3A_21] {strides = array<i32>} : memref<128xf32, #tpu.memory_space<vmem>>, vector<16xf32>,
      %swap3A_23 = vector.shape_cast %swap3A_22 : vector<16xf32> to vector<16xf32>
      %swap3A_24 = vector.shape_cast %broadcast_in_dim3A_20 : vector<16xf32> to vector<16xf32>
      tpu.vector_store %arg6[%swap3A_21], %swap3A_24 {strides = array<i32>} : memref<128xf32, #tpu.memory_space<vmem>>, vector<16xf32>,
      %broadcast_in_dim3A_25 = arith.constant 1.000000e+00 : f32
      %broadcast_in_dim3A_26 = vector.broadcast %broadcast_in_dim3A_25 : f32 to vector<16xf32>
      %swap3A_27 = arith.constant 64 : index
      %swap3A_28 = tpu.vector_load %arg6[%swap3A_27] {strides = array<i32>} : memref<128xf32, #tpu.memory_space<vmem>>, vector<16xf32>,
      %swap3A_29 = vector.shape_cast %swap3A_28 : vector<16xf32> to vector<16xf32>
      %swap3A_30 = vector.shape_cast %broadcast_in_dim3A_26 : vector<16xf32> to vector<16xf32>
      tpu.vector_store %arg6[%swap3A_27], %swap3A_30 {strides = array<i32>} : memref<128xf32, #tpu.memory_space<vmem>>, vector<16xf32>,
      %broadcast_in_dim3A_31 = arith.constant 1.000000e+00 : f32
      %broadcast_in_dim3A_32 = vector.broadcast %broadcast_in_dim3A_31 : f32 to vector<16xf32>
      %swap3A_33 = arith.constant 80 : index
      %swap3A_34 = tpu.vector_load %arg6[%swap3A_33] {strides = array<i32>} : memref<128xf32, #tpu.memory_space<vmem>>, vector<16xf32>,
      %swap3A_35 = vector.shape_cast %swap3A_34 : vector<16xf32> to vector<16xf32>
      %swap3A_36 = vector.shape_cast %broadcast_in_dim3A_32 : vector<16xf32> to vector<16xf32>
      tpu.vector_store %arg6[%swap3A_33], %swap3A_36 {strides = array<i32>} : memref<128xf32, #tpu.memory_space<vmem>>, vector<16xf32>,
      %broadcast_in_dim3A_37 = arith.constant 1.000000e+00 : f32
      %broadcast_in_dim3A_38 = vector.broadcast %broadcast_in_dim3A_37 : f32 to vector<16xf32>
      %swap3A_39 = arith.constant 96 : index
      %swap3A_40 = tpu.vector_load %arg6[%swap3A_39] {strides = array<i32>} : memref<128xf32, #tpu.memory_space<vmem>>, vector<16xf32>,
      %swap3A_41 = vector.shape_cast %swap3A_40 : vector<16xf32> to vector<16xf32>
      %swap3A_42 = vector.shape_cast %broadcast_in_dim3A_38 : vector<16xf32> to vector<16xf32>
      tpu.vector_store %arg6[%swap3A_39], %swap3A_42 {strides = array<i32>} : memref<128xf32, #tpu.memory_space<vmem>>, vector<16xf32>,
      %broadcast_in_dim3A_43 = arith.constant 1.000000e+00 : f32
      %broadcast_in_dim3A_44 = vector.broadcast %broadcast_in_dim3A_43 : f32 to vector<16xf32>
      %swap3A_45 = arith.constant 112 : index
      %swap3A_46 = tpu.vector_load %arg6[%swap3A_45] {strides = array<i32>} : memref<128xf32, #tpu.memory_space<vmem>>, vector<16xf32>,
      %swap3A_47 = vector.shape_cast %swap3A_46 : vector<16xf32> to vector<16xf32>
      %swap3A_48 = vector.shape_cast %broadcast_in_dim3A_44 : vector<16xf32> to vector<16xf32>
      tpu.vector_store %arg6[%swap3A_45], %swap3A_48 {strides = array<i32>} : memref<128xf32, #tpu.memory_space<vmem>>, vector<16xf32>,
      %eq3A_49 = arith.constant 0 : i32
      %eq3A_50 = arith.cmpi eq, %arg1, %eq3A_49 : i32
      %convert_element_type3A_51 = arith.extui %eq3A_50 : i1 to i32
      %cond3A_52 = arith.constant 0 : i32
      %cond3A_53 = arith.cmpi ne, %convert_element_type3A_51, %cond3A_52 : i32
      scf.if %cond3A_53 {
        "tpu.region"() ({
          %run_scoped3A = tpu.sem_alloc : memref<!tpu.dma_semaphore, #tpu.memory_space<semaphore_mem>>
          tpu.enqueue_dma source(%arg3 : memref<10400xf32, #tpu.memory_space<hbm>>) target(%arg7 : memref<10400xf32, #tpu.memory_space<vmem_shared>>) target_semaphore(%run_scoped3A : memref<!tpu.dma_semaphore, #tpu.memory_space<semaphore_mem>>)
          tpu.wait_dma2 semaphore(%run_scoped3A : memref<!tpu.dma_semaphore, #tpu.memory_space<semaphore_mem>>) src(%arg3 : memref<10400xf32, #tpu.memory_space<hbm>>) dst(%arg7 : memref<10400xf32, #tpu.memory_space<vmem_shared>>)
          tpu.yield
        }) : () -> ()
      } else {
      }
      %barrier3A = arith.constant 0 : index
      tpu.barrier barrier_id(%barrier3A)
      %scan3A = arith.constant 0 : i32
      %scan3A_54 = arith.constant 0 : i32
      %scan3A_55 = arith.constant 160 : i32
      %scan3A_56 = arith.addi %scan3A_54, %scan3A_55 : i32
      %scan3A_57 = arith.constant 1 : i32
      scf.for %scan3A_65 = %scan3A_54 to %scan3A_56 step %scan3A_57  : i32 {
        "tpu.region"() ({
          %run_scoped3A = tpu.sem_alloc : memref<!tpu.dma_semaphore, #tpu.memory_space<semaphore_mem>>
          %dma_start3A = arith.constant 0 : i32
          %dma_start3A_66 = tpu.memref_slice %arg5[%scan3A_65, %dma_start3A] : memref<160x128xi32, #tpu.memory_space<vmem>> -> memref<1x128xi32, #tpu.memory_space<vmem>>
          %dma_start3A_67 = tpu.memref_squeeze %dma_start3A_66 : memref<1x128xi32, #tpu.memory_space<vmem>> -> memref<128xi32, #tpu.memory_space<vmem>>
          %dma_start3A_68 = arith.constant 0 : i32
          %dma_start3A_69 = tpu.memref_slice %arg7[%dma_start3A_68] : memref<10400xf32, #tpu.memory_space<vmem_shared>> -> memref<10400xf32, #tpu.memory_space<vmem_shared>>
          tpu.enqueue_indirect_dma source(%arg6 : memref<128xf32, #tpu.memory_space<vmem>>) target(%dma_start3A_69 : memref<10400xf32, #tpu.memory_space<vmem_shared>>) offsets(%dma_start3A_67 : memref<128xi32, #tpu.memory_space<vmem>>) semaphore(%run_scoped3A : memref<!tpu.dma_semaphore, #tpu.memory_space<semaphore_mem>>) {add = true}
          %dma_wait3A = arith.constant 0 : i32
          %dma_wait3A_70 = tpu.memref_slice %arg5[%scan3A_65, %dma_wait3A] : memref<160x128xi32, #tpu.memory_space<vmem>> -> memref<1x128xi32, #tpu.memory_space<vmem>>
          %dma_wait3A_71 = tpu.memref_squeeze %dma_wait3A_70 : memref<1x128xi32, #tpu.memory_space<vmem>> -> memref<128xi32, #tpu.memory_space<vmem>>
          %dma_wait3A_72 = arith.constant 0 : i32
          %dma_wait3A_73 = tpu.memref_slice %arg7[%dma_wait3A_72] : memref<10400xf32, #tpu.memory_space<vmem_shared>> -> memref<10400xf32, #tpu.memory_space<vmem_shared>>
          tpu.wait_indirect_dma semaphore(%run_scoped3A : memref<!tpu.dma_semaphore, #tpu.memory_space<semaphore_mem>>) src(%arg6 : memref<128xf32, #tpu.memory_space<vmem>>) dst(%dma_wait3A_73 : memref<10400xf32, #tpu.memory_space<vmem_shared>>)
          tpu.yield
        }) : () -> ()
      }
      %scan3A_58 = arith.constant 160 : i32
      %barrier3A_59 = arith.constant 0 : index
      tpu.barrier barrier_id(%barrier3A_59)
      %eq3A_60 = arith.constant 0 : i32
      %eq3A_61 = arith.cmpi eq, %arg1, %eq3A_60 : i32
      %convert_element_type3A_62 = arith.extui %eq3A_61 : i1 to i32
      %cond3A_63 = arith.constant 0 : i32
      %cond3A_64 = arith.cmpi ne, %convert_element_type3A_62, %cond3A_63 : i32
      scf.if %cond3A_64 {
        "tpu.region"() ({
          %run_scoped3A = tpu.sem_alloc : memref<!tpu.dma_semaphore, #tpu.memory_space<semaphore_mem>>
          tpu.enqueue_dma source(%arg7 : memref<10400xf32, #tpu.memory_space<vmem_shared>>) target(%arg4 : memref<10400xf32, #tpu.memory_space<hbm>>) target_semaphore(%run_scoped3A : memref<!tpu.dma_semaphore, #tpu.memory_space<semaphore_mem>>)
          tpu.wait_dma2 semaphore(%run_scoped3A : memref<!tpu.dma_semaphore, #tpu.memory_space<semaphore_mem>>) src(%arg7 : memref<10400xf32, #tpu.memory_space<vmem_shared>>) dst(%arg4 : memref<10400xf32, #tpu.memory_space<hbm>>)
          tpu.yield
        }) : () -> ()
      } else {
      }
    } else {
    }
    return
  }
}

#map = affine_map<(d0, d1) -> (0, 0)>
#map1 = affine_map<(d0, d1) -> (0, 0, 0)>
module attributes {stable_mosaic.version = 14 : i64} {
  func.func @_scat_body(%arg0: i32, %arg1: i32, %arg2: memref<10000x64xf32, #tpu.memory_space<hbm>>, %arg3: memref<2560x128xi32, #tpu.memory_space<hbm>>, %arg4: memref<2560x128xi32, #tpu.memory_space<hbm>>, %arg5: memref<10400x64xf32, #tpu.memory_space<hbm>>, %arg6: memref<2x10400x64xf32, #tpu.memory_space<hbm>>, %arg7: memref<16x128xi32, #tpu.memory_space<vmem>>, %arg8: memref<16x128xi32, #tpu.memory_space<vmem>>, %arg9: memref<128x64xf32, #tpu.memory_space<vmem>>, %arg10: memref<128x64xf32, #tpu.memory_space<vmem>>, %arg11: memref<10400x64xf32, #tpu.memory_space<vmem_shared>>, %arg12: memref<!tpu.dma_semaphore, #tpu.memory_space<semaphore_mem>>, %arg13: memref<!tpu.dma_semaphore, #tpu.memory_space<semaphore_mem>>) attributes {dimension_semantics = [#tpu.dimension_semantics<core_parallel>, #tpu.dimension_semantics<subcore_parallel>], iteration_bounds = array<i64: 2, 16>, scalar_prefetch = 0 : i64, scratch_operands = 7 : i64, tpu.core_type = #tpu.core_type<sc_vector_subcore>, window_params = [{transform_indices = #map}, {transform_indices = #map}, {transform_indices = #map}, {transform_indices = #map}, {transform_indices = #map1}]} {
    %eq3A = arith.constant 0 : i32
    %eq3A_0 = arith.cmpi eq, %arg0, %eq3A : i32
    %jit3A = arith.constant 7 : i32
    %jit3A_1 = arith.constant 3 : i32
    %select_n3A = arith.select %eq3A_0, %jit3A, %jit3A_1 : i32
    %eq3A_2 = arith.constant 0 : i32
    %eq3A_3 = arith.cmpi eq, %arg0, %eq3A_2 : i32
    %mul3A = arith.constant 112 : i32
    %mul3A_4 = arith.muli %arg1, %mul3A : i32
    %mul3A_5 = arith.constant 48 : i32
    %mul3A_6 = arith.muli %arg1, %mul3A_5 : i32
    %add3A = arith.constant 1792 : i32
    %add3A_7 = arith.addi %add3A, %mul3A_6 : i32
    %select_n3A_8 = arith.select %eq3A_3, %mul3A_4, %add3A_7 : i32
    %eq3A_9 = arith.constant 0 : i32
    %eq3A_10 = arith.cmpi eq, %arg1, %eq3A_9 : i32
    %convert_element_type3A = arith.extui %eq3A_10 : i1 to i32
    %cond3A = arith.constant 0 : i32
    %cond3A_11 = arith.cmpi ne, %convert_element_type3A, %cond3A : i32
    scf.if %cond3A_11 {
      "tpu.region"() ({
        %run_scoped3A = tpu.sem_alloc : memref<!tpu.dma_semaphore, #tpu.memory_space<semaphore_mem>>
        tpu.enqueue_dma source(%arg5 : memref<10400x64xf32, #tpu.memory_space<hbm>>) target(%arg11 : memref<10400x64xf32, #tpu.memory_space<vmem_shared>>) target_semaphore(%run_scoped3A : memref<!tpu.dma_semaphore, #tpu.memory_space<semaphore_mem>>)
        tpu.wait_dma2 semaphore(%run_scoped3A : memref<!tpu.dma_semaphore, #tpu.memory_space<semaphore_mem>>) src(%arg5 : memref<10400x64xf32, #tpu.memory_space<hbm>>) dst(%arg11 : memref<10400x64xf32, #tpu.memory_space<vmem_shared>>)
        tpu.yield
      }) : () -> ()
    } else {
    }
    %barrier3A = arith.constant 0 : index
    tpu.barrier barrier_id(%barrier3A)
    %while3A = arith.constant 0 : i32
    %while3A_12 = arith.constant 0 : i32
    %while3A_13 = arith.subi %select_n3A, %while3A_12 : i32
    %while3A_14 = arith.addi %while3A_12, %while3A_13 : i32
    %while3A_15 = arith.constant 1 : i32
    %while3A_16 = arith.divsi %while3A_13, %while3A_15 : i32
    %while3A_17 = arith.muli %while3A_16, %while3A_15 : i32
    %while3A_18 = arith.addi %while3A_12, %while3A_17 : i32
    %while3A_19 = arith.constant 1 : i32
    scf.for %while3A_27 = %while3A_12 to %while3A_18 step %while3A_19  : i32 {
      %mul3A_28 = arith.constant 16 : i32
      %mul3A_29 = arith.muli %while3A_27, %mul3A_28 : i32
      %add3A_30 = arith.addi %select_n3A_8, %mul3A_29 : i32
      "tpu.region"() ({
        %run_scoped3A = tpu.sem_alloc : memref<!tpu.dma_semaphore, #tpu.memory_space<semaphore_mem>>
        %dma_start3A_42 = arith.constant 0 : i32
        %dma_start3A_43 = tpu.memref_slice %arg3[%add3A_30, %dma_start3A_42] : memref<2560x128xi32, #tpu.memory_space<hbm>> -> memref<16x128xi32, #tpu.memory_space<hbm>>
        %dma_start3A_44 = arith.constant 0 : i32
        %dma_start3A_45 = tpu.memref_slice %arg3[%add3A_30, %dma_start3A_44] : memref<2560x128xi32, #tpu.memory_space<hbm>> -> memref<16x128xi32, #tpu.memory_space<hbm>>
        tpu.enqueue_dma source(%dma_start3A_45 : memref<16x128xi32, #tpu.memory_space<hbm>>) target(%arg7 : memref<16x128xi32, #tpu.memory_space<vmem>>) target_semaphore(%run_scoped3A : memref<!tpu.dma_semaphore, #tpu.memory_space<semaphore_mem>>)
        %dma_wait3A = arith.constant 0 : i32
        %dma_wait3A_46 = tpu.memref_slice %arg3[%add3A_30, %dma_wait3A] : memref<2560x128xi32, #tpu.memory_space<hbm>> -> memref<16x128xi32, #tpu.memory_space<hbm>>
        %dma_wait3A_47 = arith.constant 0 : i32
        %dma_wait3A_48 = tpu.memref_slice %arg3[%add3A_30, %dma_wait3A_47] : memref<2560x128xi32, #tpu.memory_space<hbm>> -> memref<16x128xi32, #tpu.memory_space<hbm>>
        tpu.wait_dma2 semaphore(%run_scoped3A : memref<!tpu.dma_semaphore, #tpu.memory_space<semaphore_mem>>) src(%dma_wait3A_48 : memref<16x128xi32, #tpu.memory_space<hbm>>) dst(%arg7 : memref<16x128xi32, #tpu.memory_space<vmem>>)
        tpu.yield
      }) : () -> ()
      "tpu.region"() ({
        %run_scoped3A = tpu.sem_alloc : memref<!tpu.dma_semaphore, #tpu.memory_space<semaphore_mem>>
        %dma_start3A_42 = arith.constant 0 : i32
        %dma_start3A_43 = tpu.memref_slice %arg4[%add3A_30, %dma_start3A_42] : memref<2560x128xi32, #tpu.memory_space<hbm>> -> memref<16x128xi32, #tpu.memory_space<hbm>>
        %dma_start3A_44 = arith.constant 0 : i32
        %dma_start3A_45 = tpu.memref_slice %arg4[%add3A_30, %dma_start3A_44] : memref<2560x128xi32, #tpu.memory_space<hbm>> -> memref<16x128xi32, #tpu.memory_space<hbm>>
        tpu.enqueue_dma source(%dma_start3A_45 : memref<16x128xi32, #tpu.memory_space<hbm>>) target(%arg8 : memref<16x128xi32, #tpu.memory_space<vmem>>) target_semaphore(%run_scoped3A : memref<!tpu.dma_semaphore, #tpu.memory_space<semaphore_mem>>)
        %dma_wait3A = arith.constant 0 : i32
        %dma_wait3A_46 = tpu.memref_slice %arg4[%add3A_30, %dma_wait3A] : memref<2560x128xi32, #tpu.memory_space<hbm>> -> memref<16x128xi32, #tpu.memory_space<hbm>>
        %dma_wait3A_47 = arith.constant 0 : i32
        %dma_wait3A_48 = tpu.memref_slice %arg4[%add3A_30, %dma_wait3A_47] : memref<2560x128xi32, #tpu.memory_space<hbm>> -> memref<16x128xi32, #tpu.memory_space<hbm>>
        tpu.wait_dma2 semaphore(%run_scoped3A : memref<!tpu.dma_semaphore, #tpu.memory_space<semaphore_mem>>) src(%dma_wait3A_48 : memref<16x128xi32, #tpu.memory_space<hbm>>) dst(%arg8 : memref<16x128xi32, #tpu.memory_space<vmem>>)
        tpu.yield
      }) : () -> ()
      %dma_start3A = arith.constant 0 : i32
      %dma_start3A_31 = arith.constant 0 : i32
      %dma_start3A_32 = tpu.memref_slice %arg7[%dma_start3A, %dma_start3A_31] : memref<16x128xi32, #tpu.memory_space<vmem>> -> memref<1x128xi32, #tpu.memory_space<vmem>>
      %dma_start3A_33 = tpu.memref_squeeze %dma_start3A_32 : memref<1x128xi32, #tpu.memory_space<vmem>> -> memref<128xi32, #tpu.memory_space<vmem>>
      %dma_start3A_34 = arith.constant 0 : i32
      %dma_start3A_35 = arith.constant 0 : i32
      %dma_start3A_36 = tpu.memref_slice %arg2[%dma_start3A_34, %dma_start3A_35] : memref<10000x64xf32, #tpu.memory_space<hbm>> -> memref<10000x64xf32, #tpu.memory_space<hbm>>
      tpu.enqueue_indirect_dma source(%dma_start3A_36 : memref<10000x64xf32, #tpu.memory_space<hbm>>) target(%arg9 : memref<128x64xf32, #tpu.memory_space<vmem>>) offsets(%dma_start3A_33 : memref<128xi32, #tpu.memory_space<vmem>>) semaphore(%arg12 : memref<!tpu.dma_semaphore, #tpu.memory_space<semaphore_mem>>)
      %scan3A = arith.constant 0 : i32
      %scan3A_37 = arith.constant 0 : i32
      %scan3A_38 = arith.constant 8 : i32
      %scan3A_39 = arith.addi %scan3A_37, %scan3A_38 : i32
      %scan3A_40 = arith.constant 1 : i32
      scf.for %scan3A_42 = %scan3A_37 to %scan3A_39 step %scan3A_40  : i32 {
        %mul3A_43 = arith.constant 2 : i32
        %mul3A_44 = arith.muli %mul3A_43, %scan3A_42 : i32
        %dma_wait3A = arith.constant 0 : i32
        %dma_wait3A_45 = tpu.memref_slice %arg7[%mul3A_44, %dma_wait3A] : memref<16x128xi32, #tpu.memory_space<vmem>> -> memref<1x128xi32, #tpu.memory_space<vmem>>
        %dma_wait3A_46 = tpu.memref_squeeze %dma_wait3A_45 : memref<1x128xi32, #tpu.memory_space<vmem>> -> memref<128xi32, #tpu.memory_space<vmem>>
        %dma_wait3A_47 = arith.constant 0 : i32
        %dma_wait3A_48 = arith.constant 0 : i32
        %dma_wait3A_49 = tpu.memref_slice %arg2[%dma_wait3A_47, %dma_wait3A_48] : memref<10000x64xf32, #tpu.memory_space<hbm>> -> memref<10000x64xf32, #tpu.memory_space<hbm>>
        tpu.wait_indirect_dma semaphore(%arg12 : memref<!tpu.dma_semaphore, #tpu.memory_space<semaphore_mem>>) src(%dma_wait3A_49 : memref<10000x64xf32, #tpu.memory_space<hbm>>) dst(%arg9 : memref<128x64xf32, #tpu.memory_space<vmem>>)
        %add3A_50 = arith.constant 1 : i32
        %add3A_51 = arith.addi %mul3A_44, %add3A_50 : i32
        %dma_start3A_52 = arith.constant 0 : i32
        %dma_start3A_53 = tpu.memref_slice %arg7[%add3A_51, %dma_start3A_52] : memref<16x128xi32, #tpu.memory_space<vmem>> -> memref<1x128xi32, #tpu.memory_space<vmem>>
        %dma_start3A_54 = tpu.memref_squeeze %dma_start3A_53 : memref<1x128xi32, #tpu.memory_space<vmem>> -> memref<128xi32, #tpu.memory_space<vmem>>
        %dma_start3A_55 = arith.constant 0 : i32
        %dma_start3A_56 = arith.constant 0 : i32
        %dma_start3A_57 = tpu.memref_slice %arg2[%dma_start3A_55, %dma_start3A_56] : memref<10000x64xf32, #tpu.memory_space<hbm>> -> memref<10000x64xf32, #tpu.memory_space<hbm>>
        tpu.enqueue_indirect_dma source(%dma_start3A_57 : memref<10000x64xf32, #tpu.memory_space<hbm>>) target(%arg10 : memref<128x64xf32, #tpu.memory_space<vmem>>) offsets(%dma_start3A_54 : memref<128xi32, #tpu.memory_space<vmem>>) semaphore(%arg13 : memref<!tpu.dma_semaphore, #tpu.memory_space<semaphore_mem>>)
        "tpu.region"() ({
          %run_scoped3A = tpu.sem_alloc : memref<!tpu.dma_semaphore, #tpu.memory_space<semaphore_mem>>
          %dma_start3A_72 = arith.constant 0 : i32
          %dma_start3A_73 = tpu.memref_slice %arg8[%mul3A_44, %dma_start3A_72] : memref<16x128xi32, #tpu.memory_space<vmem>> -> memref<1x128xi32, #tpu.memory_space<vmem>>
          %dma_start3A_74 = tpu.memref_squeeze %dma_start3A_73 : memref<1x128xi32, #tpu.memory_space<vmem>> -> memref<128xi32, #tpu.memory_space<vmem>>
          %dma_start3A_75 = arith.constant 0 : i32
          %dma_start3A_76 = arith.constant 0 : i32
          %dma_start3A_77 = tpu.memref_slice %arg11[%dma_start3A_75, %dma_start3A_76] : memref<10400x64xf32, #tpu.memory_space<vmem_shared>> -> memref<10400x64xf32, #tpu.memory_space<vmem_shared>>
          tpu.enqueue_indirect_dma source(%arg9 : memref<128x64xf32, #tpu.memory_space<vmem>>) target(%dma_start3A_77 : memref<10400x64xf32, #tpu.memory_space<vmem_shared>>) offsets(%dma_start3A_74 : memref<128xi32, #tpu.memory_space<vmem>>) semaphore(%run_scoped3A : memref<!tpu.dma_semaphore, #tpu.memory_space<semaphore_mem>>) {add = true}
          %dma_wait3A_78 = arith.constant 0 : i32
          %dma_wait3A_79 = tpu.memref_slice %arg8[%mul3A_44, %dma_wait3A_78] : memref<16x128xi32, #tpu.memory_space<vmem>> -> memref<1x128xi32, #tpu.memory_space<vmem>>
          %dma_wait3A_80 = tpu.memref_squeeze %dma_wait3A_79 : memref<1x128xi32, #tpu.memory_space<vmem>> -> memref<128xi32, #tpu.memory_space<vmem>>
          %dma_wait3A_81 = arith.constant 0 : i32
          %dma_wait3A_82 = arith.constant 0 : i32
          %dma_wait3A_83 = tpu.memref_slice %arg11[%dma_wait3A_81, %dma_wait3A_82] : memref<10400x64xf32, #tpu.memory_space<vmem_shared>> -> memref<10400x64xf32, #tpu.memory_space<vmem_shared>>
          tpu.wait_indirect_dma semaphore(%run_scoped3A : memref<!tpu.dma_semaphore, #tpu.memory_space<semaphore_mem>>) src(%arg9 : memref<128x64xf32, #tpu.memory_space<vmem>>) dst(%dma_wait3A_83 : memref<10400x64xf32, #tpu.memory_space<vmem_shared>>)
          tpu.yield
        }) : () -> ()
        %add3A_58 = arith.constant 1 : i32
        %add3A_59 = arith.addi %mul3A_44, %add3A_58 : i32
        %dma_wait3A_60 = arith.constant 0 : i32
        %dma_wait3A_61 = tpu.memref_slice %arg7[%add3A_59, %dma_wait3A_60] : memref<16x128xi32, #tpu.memory_space<vmem>> -> memref<1x128xi32, #tpu.memory_space<vmem>>
        %dma_wait3A_62 = tpu.memref_squeeze %dma_wait3A_61 : memref<1x128xi32, #tpu.memory_space<vmem>> -> memref<128xi32, #tpu.memory_space<vmem>>
        %dma_wait3A_63 = arith.constant 0 : i32
        %dma_wait3A_64 = arith.constant 0 : i32
        %dma_wait3A_65 = tpu.memref_slice %arg2[%dma_wait3A_63, %dma_wait3A_64] : memref<10000x64xf32, #tpu.memory_space<hbm>> -> memref<10000x64xf32, #tpu.memory_space<hbm>>
        tpu.wait_indirect_dma semaphore(%arg13 : memref<!tpu.dma_semaphore, #tpu.memory_space<semaphore_mem>>) src(%dma_wait3A_65 : memref<10000x64xf32, #tpu.memory_space<hbm>>) dst(%arg10 : memref<128x64xf32, #tpu.memory_space<vmem>>)
        %lt3A = arith.constant 7 : i32
        %lt3A_66 = arith.cmpi slt, %scan3A_42, %lt3A : i32
        %convert_element_type3A_67 = arith.extui %lt3A_66 : i1 to i32
        %cond3A_68 = arith.constant 0 : i32
        %cond3A_69 = arith.cmpi ne, %convert_element_type3A_67, %cond3A_68 : i32
        scf.if %cond3A_69 {
          %add3A_72 = arith.constant 2 : i32
          %add3A_73 = arith.addi %mul3A_44, %add3A_72 : i32
          %dma_start3A_74 = arith.constant 0 : i32
          %dma_start3A_75 = tpu.memref_slice %arg7[%add3A_73, %dma_start3A_74] : memref<16x128xi32, #tpu.memory_space<vmem>> -> memref<1x128xi32, #tpu.memory_space<vmem>>
          %dma_start3A_76 = tpu.memref_squeeze %dma_start3A_75 : memref<1x128xi32, #tpu.memory_space<vmem>> -> memref<128xi32, #tpu.memory_space<vmem>>
          %dma_start3A_77 = arith.constant 0 : i32
          %dma_start3A_78 = arith.constant 0 : i32
          %dma_start3A_79 = tpu.memref_slice %arg2[%dma_start3A_77, %dma_start3A_78] : memref<10000x64xf32, #tpu.memory_space<hbm>> -> memref<10000x64xf32, #tpu.memory_space<hbm>>
          tpu.enqueue_indirect_dma source(%dma_start3A_79 : memref<10000x64xf32, #tpu.memory_space<hbm>>) target(%arg9 : memref<128x64xf32, #tpu.memory_space<vmem>>) offsets(%dma_start3A_76 : memref<128xi32, #tpu.memory_space<vmem>>) semaphore(%arg12 : memref<!tpu.dma_semaphore, #tpu.memory_space<semaphore_mem>>)
        } else {
        }
        %add3A_70 = arith.constant 1 : i32
        %add3A_71 = arith.addi %mul3A_44, %add3A_70 : i32
        "tpu.region"() ({
          %run_scoped3A = tpu.sem_alloc : memref<!tpu.dma_semaphore, #tpu.memory_space<semaphore_mem>>
          %dma_start3A_72 = arith.constant 0 : i32
          %dma_start3A_73 = tpu.memref_slice %arg8[%add3A_71, %dma_start3A_72] : memref<16x128xi32, #tpu.memory_space<vmem>> -> memref<1x128xi32, #tpu.memory_space<vmem>>
          %dma_start3A_74 = tpu.memref_squeeze %dma_start3A_73 : memref<1x128xi32, #tpu.memory_space<vmem>> -> memref<128xi32, #tpu.memory_space<vmem>>
          %dma_start3A_75 = arith.constant 0 : i32
          %dma_start3A_76 = arith.constant 0 : i32
          %dma_start3A_77 = tpu.memref_slice %arg11[%dma_start3A_75, %dma_start3A_76] : memref<10400x64xf32, #tpu.memory_space<vmem_shared>> -> memref<10400x64xf32, #tpu.memory_space<vmem_shared>>
          tpu.enqueue_indirect_dma source(%arg10 : memref<128x64xf32, #tpu.memory_space<vmem>>) target(%dma_start3A_77 : memref<10400x64xf32, #tpu.memory_space<vmem_shared>>) offsets(%dma_start3A_74 : memref<128xi32, #tpu.memory_space<vmem>>) semaphore(%run_scoped3A : memref<!tpu.dma_semaphore, #tpu.memory_space<semaphore_mem>>) {add = true}
          %dma_wait3A_78 = arith.constant 0 : i32
          %dma_wait3A_79 = tpu.memref_slice %arg8[%add3A_71, %dma_wait3A_78] : memref<16x128xi32, #tpu.memory_space<vmem>> -> memref<1x128xi32, #tpu.memory_space<vmem>>
          %dma_wait3A_80 = tpu.memref_squeeze %dma_wait3A_79 : memref<1x128xi32, #tpu.memory_space<vmem>> -> memref<128xi32, #tpu.memory_space<vmem>>
          %dma_wait3A_81 = arith.constant 0 : i32
          %dma_wait3A_82 = arith.constant 0 : i32
          %dma_wait3A_83 = tpu.memref_slice %arg11[%dma_wait3A_81, %dma_wait3A_82] : memref<10400x64xf32, #tpu.memory_space<vmem_shared>> -> memref<10400x64xf32, #tpu.memory_space<vmem_shared>>
          tpu.wait_indirect_dma semaphore(%run_scoped3A : memref<!tpu.dma_semaphore, #tpu.memory_space<semaphore_mem>>) src(%arg10 : memref<128x64xf32, #tpu.memory_space<vmem>>) dst(%dma_wait3A_83 : memref<10400x64xf32, #tpu.memory_space<vmem_shared>>)
          tpu.yield
        }) : () -> ()
      }
      %scan3A_41 = arith.constant 8 : i32
    }
    %while3A_20 = arith.constant 1 : i32
    scf.for %while3A_27 = %while3A_18 to %while3A_14 step %while3A_20  : i32 {
      %mul3A_28 = arith.constant 16 : i32
      %mul3A_29 = arith.muli %while3A_27, %mul3A_28 : i32
      %add3A_30 = arith.addi %select_n3A_8, %mul3A_29 : i32
      "tpu.region"() ({
        %run_scoped3A = tpu.sem_alloc : memref<!tpu.dma_semaphore, #tpu.memory_space<semaphore_mem>>
        %dma_start3A_42 = arith.constant 0 : i32
        %dma_start3A_43 = tpu.memref_slice %arg3[%add3A_30, %dma_start3A_42] : memref<2560x128xi32, #tpu.memory_space<hbm>> -> memref<16x128xi32, #tpu.memory_space<hbm>>
        %dma_start3A_44 = arith.constant 0 : i32
        %dma_start3A_45 = tpu.memref_slice %arg3[%add3A_30, %dma_start3A_44] : memref<2560x128xi32, #tpu.memory_space<hbm>> -> memref<16x128xi32, #tpu.memory_space<hbm>>
        tpu.enqueue_dma source(%dma_start3A_45 : memref<16x128xi32, #tpu.memory_space<hbm>>) target(%arg7 : memref<16x128xi32, #tpu.memory_space<vmem>>) target_semaphore(%run_scoped3A : memref<!tpu.dma_semaphore, #tpu.memory_space<semaphore_mem>>)
        %dma_wait3A = arith.constant 0 : i32
        %dma_wait3A_46 = tpu.memref_slice %arg3[%add3A_30, %dma_wait3A] : memref<2560x128xi32, #tpu.memory_space<hbm>> -> memref<16x128xi32, #tpu.memory_space<hbm>>
        %dma_wait3A_47 = arith.constant 0 : i32
        %dma_wait3A_48 = tpu.memref_slice %arg3[%add3A_30, %dma_wait3A_47] : memref<2560x128xi32, #tpu.memory_space<hbm>> -> memref<16x128xi32, #tpu.memory_space<hbm>>
        tpu.wait_dma2 semaphore(%run_scoped3A : memref<!tpu.dma_semaphore, #tpu.memory_space<semaphore_mem>>) src(%dma_wait3A_48 : memref<16x128xi32, #tpu.memory_space<hbm>>) dst(%arg7 : memref<16x128xi32, #tpu.memory_space<vmem>>)
        tpu.yield
      }) : () -> ()
      "tpu.region"() ({
        %run_scoped3A = tpu.sem_alloc : memref<!tpu.dma_semaphore, #tpu.memory_space<semaphore_mem>>
        %dma_start3A_42 = arith.constant 0 : i32
        %dma_start3A_43 = tpu.memref_slice %arg4[%add3A_30, %dma_start3A_42] : memref<2560x128xi32, #tpu.memory_space<hbm>> -> memref<16x128xi32, #tpu.memory_space<hbm>>
        %dma_start3A_44 = arith.constant 0 : i32
        %dma_start3A_45 = tpu.memref_slice %arg4[%add3A_30, %dma_start3A_44] : memref<2560x128xi32, #tpu.memory_space<hbm>> -> memref<16x128xi32, #tpu.memory_space<hbm>>
        tpu.enqueue_dma source(%dma_start3A_45 : memref<16x128xi32, #tpu.memory_space<hbm>>) target(%arg8 : memref<16x128xi32, #tpu.memory_space<vmem>>) target_semaphore(%run_scoped3A : memref<!tpu.dma_semaphore, #tpu.memory_space<semaphore_mem>>)
        %dma_wait3A = arith.constant 0 : i32
        %dma_wait3A_46 = tpu.memref_slice %arg4[%add3A_30, %dma_wait3A] : memref<2560x128xi32, #tpu.memory_space<hbm>> -> memref<16x128xi32, #tpu.memory_space<hbm>>
        %dma_wait3A_47 = arith.constant 0 : i32
        %dma_wait3A_48 = tpu.memref_slice %arg4[%add3A_30, %dma_wait3A_47] : memref<2560x128xi32, #tpu.memory_space<hbm>> -> memref<16x128xi32, #tpu.memory_space<hbm>>
        tpu.wait_dma2 semaphore(%run_scoped3A : memref<!tpu.dma_semaphore, #tpu.memory_space<semaphore_mem>>) src(%dma_wait3A_48 : memref<16x128xi32, #tpu.memory_space<hbm>>) dst(%arg8 : memref<16x128xi32, #tpu.memory_space<vmem>>)
        tpu.yield
      }) : () -> ()
      %dma_start3A = arith.constant 0 : i32
      %dma_start3A_31 = arith.constant 0 : i32
      %dma_start3A_32 = tpu.memref_slice %arg7[%dma_start3A, %dma_start3A_31] : memref<16x128xi32, #tpu.memory_space<vmem>> -> memref<1x128xi32, #tpu.memory_space<vmem>>
      %dma_start3A_33 = tpu.memref_squeeze %dma_start3A_32 : memref<1x128xi32, #tpu.memory_space<vmem>> -> memref<128xi32, #tpu.memory_space<vmem>>
      %dma_start3A_34 = arith.constant 0 : i32
      %dma_start3A_35 = arith.constant 0 : i32
      %dma_start3A_36 = tpu.memref_slice %arg2[%dma_start3A_34, %dma_start3A_35] : memref<10000x64xf32, #tpu.memory_space<hbm>> -> memref<10000x64xf32, #tpu.memory_space<hbm>>
      tpu.enqueue_indirect_dma source(%dma_start3A_36 : memref<10000x64xf32, #tpu.memory_space<hbm>>) target(%arg9 : memref<128x64xf32, #tpu.memory_space<vmem>>) offsets(%dma_start3A_33 : memref<128xi32, #tpu.memory_space<vmem>>) semaphore(%arg12 : memref<!tpu.dma_semaphore, #tpu.memory_space<semaphore_mem>>)
      %scan3A = arith.constant 0 : i32
      %scan3A_37 = arith.constant 0 : i32
      %scan3A_38 = arith.constant 8 : i32
      %scan3A_39 = arith.addi %scan3A_37, %scan3A_38 : i32
      %scan3A_40 = arith.constant 1 : i32
      scf.for %scan3A_42 = %scan3A_37 to %scan3A_39 step %scan3A_40  : i32 {
        %mul3A_43 = arith.constant 2 : i32
        %mul3A_44 = arith.muli %mul3A_43, %scan3A_42 : i32
        %dma_wait3A = arith.constant 0 : i32
        %dma_wait3A_45 = tpu.memref_slice %arg7[%mul3A_44, %dma_wait3A] : memref<16x128xi32, #tpu.memory_space<vmem>> -> memref<1x128xi32, #tpu.memory_space<vmem>>
        %dma_wait3A_46 = tpu.memref_squeeze %dma_wait3A_45 : memref<1x128xi32, #tpu.memory_space<vmem>> -> memref<128xi32, #tpu.memory_space<vmem>>
        %dma_wait3A_47 = arith.constant 0 : i32
        %dma_wait3A_48 = arith.constant 0 : i32
        %dma_wait3A_49 = tpu.memref_slice %arg2[%dma_wait3A_47, %dma_wait3A_48] : memref<10000x64xf32, #tpu.memory_space<hbm>> -> memref<10000x64xf32, #tpu.memory_space<hbm>>
        tpu.wait_indirect_dma semaphore(%arg12 : memref<!tpu.dma_semaphore, #tpu.memory_space<semaphore_mem>>) src(%dma_wait3A_49 : memref<10000x64xf32, #tpu.memory_space<hbm>>) dst(%arg9 : memref<128x64xf32, #tpu.memory_space<vmem>>)
        %add3A_50 = arith.constant 1 : i32
        %add3A_51 = arith.addi %mul3A_44, %add3A_50 : i32
        %dma_start3A_52 = arith.constant 0 : i32
        %dma_start3A_53 = tpu.memref_slice %arg7[%add3A_51, %dma_start3A_52] : memref<16x128xi32, #tpu.memory_space<vmem>> -> memref<1x128xi32, #tpu.memory_space<vmem>>
        %dma_start3A_54 = tpu.memref_squeeze %dma_start3A_53 : memref<1x128xi32, #tpu.memory_space<vmem>> -> memref<128xi32, #tpu.memory_space<vmem>>
        %dma_start3A_55 = arith.constant 0 : i32
        %dma_start3A_56 = arith.constant 0 : i32
        %dma_start3A_57 = tpu.memref_slice %arg2[%dma_start3A_55, %dma_start3A_56] : memref<10000x64xf32, #tpu.memory_space<hbm>> -> memref<10000x64xf32, #tpu.memory_space<hbm>>
        tpu.enqueue_indirect_dma source(%dma_start3A_57 : memref<10000x64xf32, #tpu.memory_space<hbm>>) target(%arg10 : memref<128x64xf32, #tpu.memory_space<vmem>>) offsets(%dma_start3A_54 : memref<128xi32, #tpu.memory_space<vmem>>) semaphore(%arg13 : memref<!tpu.dma_semaphore, #tpu.memory_space<semaphore_mem>>)
        "tpu.region"() ({
          %run_scoped3A = tpu.sem_alloc : memref<!tpu.dma_semaphore, #tpu.memory_space<semaphore_mem>>
          %dma_start3A_72 = arith.constant 0 : i32
          %dma_start3A_73 = tpu.memref_slice %arg8[%mul3A_44, %dma_start3A_72] : memref<16x128xi32, #tpu.memory_space<vmem>> -> memref<1x128xi32, #tpu.memory_space<vmem>>
          %dma_start3A_74 = tpu.memref_squeeze %dma_start3A_73 : memref<1x128xi32, #tpu.memory_space<vmem>> -> memref<128xi32, #tpu.memory_space<vmem>>
          %dma_start3A_75 = arith.constant 0 : i32
          %dma_start3A_76 = arith.constant 0 : i32
          %dma_start3A_77 = tpu.memref_slice %arg11[%dma_start3A_75, %dma_start3A_76] : memref<10400x64xf32, #tpu.memory_space<vmem_shared>> -> memref<10400x64xf32, #tpu.memory_space<vmem_shared>>
          tpu.enqueue_indirect_dma source(%arg9 : memref<128x64xf32, #tpu.memory_space<vmem>>) target(%dma_start3A_77 : memref<10400x64xf32, #tpu.memory_space<vmem_shared>>) offsets(%dma_start3A_74 : memref<128xi32, #tpu.memory_space<vmem>>) semaphore(%run_scoped3A : memref<!tpu.dma_semaphore, #tpu.memory_space<semaphore_mem>>) {add = true}
          %dma_wait3A_78 = arith.constant 0 : i32
          %dma_wait3A_79 = tpu.memref_slice %arg8[%mul3A_44, %dma_wait3A_78] : memref<16x128xi32, #tpu.memory_space<vmem>> -> memref<1x128xi32, #tpu.memory_space<vmem>>
          %dma_wait3A_80 = tpu.memref_squeeze %dma_wait3A_79 : memref<1x128xi32, #tpu.memory_space<vmem>> -> memref<128xi32, #tpu.memory_space<vmem>>
          %dma_wait3A_81 = arith.constant 0 : i32
          %dma_wait3A_82 = arith.constant 0 : i32
          %dma_wait3A_83 = tpu.memref_slice %arg11[%dma_wait3A_81, %dma_wait3A_82] : memref<10400x64xf32, #tpu.memory_space<vmem_shared>> -> memref<10400x64xf32, #tpu.memory_space<vmem_shared>>
          tpu.wait_indirect_dma semaphore(%run_scoped3A : memref<!tpu.dma_semaphore, #tpu.memory_space<semaphore_mem>>) src(%arg9 : memref<128x64xf32, #tpu.memory_space<vmem>>) dst(%dma_wait3A_83 : memref<10400x64xf32, #tpu.memory_space<vmem_shared>>)
          tpu.yield
        }) : () -> ()
        %add3A_58 = arith.constant 1 : i32
        %add3A_59 = arith.addi %mul3A_44, %add3A_58 : i32
        %dma_wait3A_60 = arith.constant 0 : i32
        %dma_wait3A_61 = tpu.memref_slice %arg7[%add3A_59, %dma_wait3A_60] : memref<16x128xi32, #tpu.memory_space<vmem>> -> memref<1x128xi32, #tpu.memory_space<vmem>>
        %dma_wait3A_62 = tpu.memref_squeeze %dma_wait3A_61 : memref<1x128xi32, #tpu.memory_space<vmem>> -> memref<128xi32, #tpu.memory_space<vmem>>
        %dma_wait3A_63 = arith.constant 0 : i32
        %dma_wait3A_64 = arith.constant 0 : i32
        %dma_wait3A_65 = tpu.memref_slice %arg2[%dma_wait3A_63, %dma_wait3A_64] : memref<10000x64xf32, #tpu.memory_space<hbm>> -> memref<10000x64xf32, #tpu.memory_space<hbm>>
        tpu.wait_indirect_dma semaphore(%arg13 : memref<!tpu.dma_semaphore, #tpu.memory_space<semaphore_mem>>) src(%dma_wait3A_65 : memref<10000x64xf32, #tpu.memory_space<hbm>>) dst(%arg10 : memref<128x64xf32, #tpu.memory_space<vmem>>)
        %lt3A = arith.constant 7 : i32
        %lt3A_66 = arith.cmpi slt, %scan3A_42, %lt3A : i32
        %convert_element_type3A_67 = arith.extui %lt3A_66 : i1 to i32
        %cond3A_68 = arith.constant 0 : i32
        %cond3A_69 = arith.cmpi ne, %convert_element_type3A_67, %cond3A_68 : i32
        scf.if %cond3A_69 {
          %add3A_72 = arith.constant 2 : i32
          %add3A_73 = arith.addi %mul3A_44, %add3A_72 : i32
          %dma_start3A_74 = arith.constant 0 : i32
          %dma_start3A_75 = tpu.memref_slice %arg7[%add3A_73, %dma_start3A_74] : memref<16x128xi32, #tpu.memory_space<vmem>> -> memref<1x128xi32, #tpu.memory_space<vmem>>
          %dma_start3A_76 = tpu.memref_squeeze %dma_start3A_75 : memref<1x128xi32, #tpu.memory_space<vmem>> -> memref<128xi32, #tpu.memory_space<vmem>>
          %dma_start3A_77 = arith.constant 0 : i32
          %dma_start3A_78 = arith.constant 0 : i32
          %dma_start3A_79 = tpu.memref_slice %arg2[%dma_start3A_77, %dma_start3A_78] : memref<10000x64xf32, #tpu.memory_space<hbm>> -> memref<10000x64xf32, #tpu.memory_space<hbm>>
          tpu.enqueue_indirect_dma source(%dma_start3A_79 : memref<10000x64xf32, #tpu.memory_space<hbm>>) target(%arg9 : memref<128x64xf32, #tpu.memory_space<vmem>>) offsets(%dma_start3A_76 : memref<128xi32, #tpu.memory_space<vmem>>) semaphore(%arg12 : memref<!tpu.dma_semaphore, #tpu.memory_space<semaphore_mem>>)
        } else {
        }
        %add3A_70 = arith.constant 1 : i32
        %add3A_71 = arith.addi %mul3A_44, %add3A_70 : i32
        "tpu.region"() ({
          %run_scoped3A = tpu.sem_alloc : memref<!tpu.dma_semaphore, #tpu.memory_space<semaphore_mem>>
          %dma_start3A_72 = arith.constant 0 : i32
          %dma_start3A_73 = tpu.memref_slice %arg8[%add3A_71, %dma_start3A_72] : memref<16x128xi32, #tpu.memory_space<vmem>> -> memref<1x128xi32, #tpu.memory_space<vmem>>
          %dma_start3A_74 = tpu.memref_squeeze %dma_start3A_73 : memref<1x128xi32, #tpu.memory_space<vmem>> -> memref<128xi32, #tpu.memory_space<vmem>>
          %dma_start3A_75 = arith.constant 0 : i32
          %dma_start3A_76 = arith.constant 0 : i32
          %dma_start3A_77 = tpu.memref_slice %arg11[%dma_start3A_75, %dma_start3A_76] : memref<10400x64xf32, #tpu.memory_space<vmem_shared>> -> memref<10400x64xf32, #tpu.memory_space<vmem_shared>>
          tpu.enqueue_indirect_dma source(%arg10 : memref<128x64xf32, #tpu.memory_space<vmem>>) target(%dma_start3A_77 : memref<10400x64xf32, #tpu.memory_space<vmem_shared>>) offsets(%dma_start3A_74 : memref<128xi32, #tpu.memory_space<vmem>>) semaphore(%run_scoped3A : memref<!tpu.dma_semaphore, #tpu.memory_space<semaphore_mem>>) {add = true}
          %dma_wait3A_78 = arith.constant 0 : i32
          %dma_wait3A_79 = tpu.memref_slice %arg8[%add3A_71, %dma_wait3A_78] : memref<16x128xi32, #tpu.memory_space<vmem>> -> memref<1x128xi32, #tpu.memory_space<vmem>>
          %dma_wait3A_80 = tpu.memref_squeeze %dma_wait3A_79 : memref<1x128xi32, #tpu.memory_space<vmem>> -> memref<128xi32, #tpu.memory_space<vmem>>
          %dma_wait3A_81 = arith.constant 0 : i32
          %dma_wait3A_82 = arith.constant 0 : i32
          %dma_wait3A_83 = tpu.memref_slice %arg11[%dma_wait3A_81, %dma_wait3A_82] : memref<10400x64xf32, #tpu.memory_space<vmem_shared>> -> memref<10400x64xf32, #tpu.memory_space<vmem_shared>>
          tpu.wait_indirect_dma semaphore(%run_scoped3A : memref<!tpu.dma_semaphore, #tpu.memory_space<semaphore_mem>>) src(%arg10 : memref<128x64xf32, #tpu.memory_space<vmem>>) dst(%dma_wait3A_83 : memref<10400x64xf32, #tpu.memory_space<vmem_shared>>)
          tpu.yield
        }) : () -> ()
      }
      %scan3A_41 = arith.constant 8 : i32
    }
    %barrier3A_21 = arith.constant 0 : index
    tpu.barrier barrier_id(%barrier3A_21)
    %eq3A_22 = arith.constant 0 : i32
    %eq3A_23 = arith.cmpi eq, %arg1, %eq3A_22 : i32
    %convert_element_type3A_24 = arith.extui %eq3A_23 : i1 to i32
    %cond3A_25 = arith.constant 0 : i32
    %cond3A_26 = arith.cmpi ne, %convert_element_type3A_24, %cond3A_25 : i32
    scf.if %cond3A_26 {
      "tpu.region"() ({
        %run_scoped3A = tpu.sem_alloc : memref<!tpu.dma_semaphore, #tpu.memory_space<semaphore_mem>>
        %dma_start3A = arith.constant 0 : i32
        %dma_start3A_27 = arith.constant 0 : i32
        %dma_start3A_28 = tpu.memref_slice %arg6[%arg0, %dma_start3A, %dma_start3A_27] : memref<2x10400x64xf32, #tpu.memory_space<hbm>> -> memref<1x10400x64xf32, #tpu.memory_space<hbm>>
        %dma_start3A_29 = tpu.memref_squeeze %dma_start3A_28 : memref<1x10400x64xf32, #tpu.memory_space<hbm>> -> memref<10400x64xf32, #tpu.memory_space<hbm>>
        tpu.enqueue_dma source(%arg11 : memref<10400x64xf32, #tpu.memory_space<vmem_shared>>) target(%dma_start3A_29 : memref<10400x64xf32, #tpu.memory_space<hbm>>) target_semaphore(%run_scoped3A : memref<!tpu.dma_semaphore, #tpu.memory_space<semaphore_mem>>)
        %dma_wait3A = arith.constant 0 : i32
        %dma_wait3A_30 = arith.constant 0 : i32
        %dma_wait3A_31 = tpu.memref_slice %arg6[%arg0, %dma_wait3A, %dma_wait3A_30] : memref<2x10400x64xf32, #tpu.memory_space<hbm>> -> memref<1x10400x64xf32, #tpu.memory_space<hbm>>
        %dma_wait3A_32 = tpu.memref_squeeze %dma_wait3A_31 : memref<1x10400x64xf32, #tpu.memory_space<hbm>> -> memref<10400x64xf32, #tpu.memory_space<hbm>>
        tpu.wait_dma2 semaphore(%run_scoped3A : memref<!tpu.dma_semaphore, #tpu.memory_space<semaphore_mem>>) src(%arg11 : memref<10400x64xf32, #tpu.memory_space<vmem_shared>>) dst(%dma_wait3A_32 : memref<10400x64xf32, #tpu.memory_space<hbm>>)
        tpu.yield
      }) : () -> ()
    } else {
    }
    return
  }
}

#map = affine_map<(d0, d1) -> (0, 0)>
#map1 = affine_map<(d0, d1) -> (0, 0, 0)>
module attributes {stable_mosaic.version = 14 : i64} {
  func.func @_scat_body(%arg0: i32, %arg1: i32, %arg2: memref<10000x64xf32, #tpu.memory_space<hbm>>, %arg3: memref<2560x128xi32, #tpu.memory_space<hbm>>, %arg4: memref<2560x128xi32, #tpu.memory_space<hbm>>, %arg5: memref<10400x64xf32, #tpu.memory_space<hbm>>, %arg6: memref<2x10400x64xf32, #tpu.memory_space<hbm>>, %arg7: memref<16x128xi32, #tpu.memory_space<vmem>>, %arg8: memref<16x128xi32, #tpu.memory_space<vmem>>, %arg9: memref<128x64xf32, #tpu.memory_space<vmem>>, %arg10: memref<128x64xf32, #tpu.memory_space<vmem>>, %arg11: memref<10400x64xf32, #tpu.memory_space<vmem_shared>>, %arg12: memref<!tpu.dma_semaphore, #tpu.memory_space<semaphore_mem>>, %arg13: memref<!tpu.dma_semaphore, #tpu.memory_space<semaphore_mem>>) attributes {dimension_semantics = [#tpu.dimension_semantics<core_parallel>, #tpu.dimension_semantics<subcore_parallel>], iteration_bounds = array<i64: 2, 16>, scalar_prefetch = 0 : i64, scratch_operands = 7 : i64, tpu.core_type = #tpu.core_type<sc_vector_subcore>, window_params = [{transform_indices = #map}, {transform_indices = #map}, {transform_indices = #map}, {transform_indices = #map}, {transform_indices = #map1}]} {
    %eq3A = arith.constant 0 : i32
    %eq3A_0 = arith.cmpi eq, %arg0, %eq3A : i32
    %jit3A = arith.constant 7 : i32
    %jit3A_1 = arith.constant 3 : i32
    %select_n3A = arith.select %eq3A_0, %jit3A, %jit3A_1 : i32
    %eq3A_2 = arith.constant 0 : i32
    %eq3A_3 = arith.cmpi eq, %arg0, %eq3A_2 : i32
    %mul3A = arith.constant 112 : i32
    %mul3A_4 = arith.muli %arg1, %mul3A : i32
    %mul3A_5 = arith.constant 48 : i32
    %mul3A_6 = arith.muli %arg1, %mul3A_5 : i32
    %add3A = arith.constant 1792 : i32
    %add3A_7 = arith.addi %add3A, %mul3A_6 : i32
    %select_n3A_8 = arith.select %eq3A_3, %mul3A_4, %add3A_7 : i32
    %eq3A_9 = arith.constant 0 : i32
    %eq3A_10 = arith.cmpi eq, %arg1, %eq3A_9 : i32
    %convert_element_type3A = arith.extui %eq3A_10 : i1 to i32
    %cond3A = arith.constant 0 : i32
    %cond3A_11 = arith.cmpi ne, %convert_element_type3A, %cond3A : i32
    scf.if %cond3A_11 {
      "tpu.region"() ({
        %run_scoped3A = tpu.sem_alloc : memref<!tpu.dma_semaphore, #tpu.memory_space<semaphore_mem>>
        tpu.enqueue_dma source(%arg5 : memref<10400x64xf32, #tpu.memory_space<hbm>>) target(%arg11 : memref<10400x64xf32, #tpu.memory_space<vmem_shared>>) target_semaphore(%run_scoped3A : memref<!tpu.dma_semaphore, #tpu.memory_space<semaphore_mem>>)
        tpu.wait_dma2 semaphore(%run_scoped3A : memref<!tpu.dma_semaphore, #tpu.memory_space<semaphore_mem>>) src(%arg5 : memref<10400x64xf32, #tpu.memory_space<hbm>>) dst(%arg11 : memref<10400x64xf32, #tpu.memory_space<vmem_shared>>)
        tpu.yield
      }) : () -> ()
    } else {
    }
    %barrier3A = arith.constant 0 : index
    tpu.barrier barrier_id(%barrier3A)
    %while3A = arith.constant 0 : i32
    %while3A_12 = arith.constant 0 : i32
    %while3A_13 = arith.subi %select_n3A, %while3A_12 : i32
    %while3A_14 = arith.addi %while3A_12, %while3A_13 : i32
    %while3A_15 = arith.constant 1 : i32
    %while3A_16 = arith.divsi %while3A_13, %while3A_15 : i32
    %while3A_17 = arith.muli %while3A_16, %while3A_15 : i32
    %while3A_18 = arith.addi %while3A_12, %while3A_17 : i32
    %while3A_19 = arith.constant 1 : i32
    scf.for %while3A_27 = %while3A_12 to %while3A_18 step %while3A_19  : i32 {
      %mul3A_28 = arith.constant 16 : i32
      %mul3A_29 = arith.muli %while3A_27, %mul3A_28 : i32
      %add3A_30 = arith.addi %select_n3A_8, %mul3A_29 : i32
      "tpu.region"() ({
        %run_scoped3A = tpu.sem_alloc : memref<!tpu.dma_semaphore, #tpu.memory_space<semaphore_mem>>
        %dma_start3A_42 = arith.constant 0 : i32
        %dma_start3A_43 = tpu.memref_slice %arg3[%add3A_30, %dma_start3A_42] : memref<2560x128xi32, #tpu.memory_space<hbm>> -> memref<16x128xi32, #tpu.memory_space<hbm>>
        %dma_start3A_44 = arith.constant 0 : i32
        %dma_start3A_45 = tpu.memref_slice %arg3[%add3A_30, %dma_start3A_44] : memref<2560x128xi32, #tpu.memory_space<hbm>> -> memref<16x128xi32, #tpu.memory_space<hbm>>
        tpu.enqueue_dma source(%dma_start3A_45 : memref<16x128xi32, #tpu.memory_space<hbm>>) target(%arg7 : memref<16x128xi32, #tpu.memory_space<vmem>>) target_semaphore(%run_scoped3A : memref<!tpu.dma_semaphore, #tpu.memory_space<semaphore_mem>>)
        %dma_wait3A = arith.constant 0 : i32
        %dma_wait3A_46 = tpu.memref_slice %arg3[%add3A_30, %dma_wait3A] : memref<2560x128xi32, #tpu.memory_space<hbm>> -> memref<16x128xi32, #tpu.memory_space<hbm>>
        %dma_wait3A_47 = arith.constant 0 : i32
        %dma_wait3A_48 = tpu.memref_slice %arg3[%add3A_30, %dma_wait3A_47] : memref<2560x128xi32, #tpu.memory_space<hbm>> -> memref<16x128xi32, #tpu.memory_space<hbm>>
        tpu.wait_dma2 semaphore(%run_scoped3A : memref<!tpu.dma_semaphore, #tpu.memory_space<semaphore_mem>>) src(%dma_wait3A_48 : memref<16x128xi32, #tpu.memory_space<hbm>>) dst(%arg7 : memref<16x128xi32, #tpu.memory_space<vmem>>)
        tpu.yield
      }) : () -> ()
      "tpu.region"() ({
        %run_scoped3A = tpu.sem_alloc : memref<!tpu.dma_semaphore, #tpu.memory_space<semaphore_mem>>
        %dma_start3A_42 = arith.constant 0 : i32
        %dma_start3A_43 = tpu.memref_slice %arg4[%add3A_30, %dma_start3A_42] : memref<2560x128xi32, #tpu.memory_space<hbm>> -> memref<16x128xi32, #tpu.memory_space<hbm>>
        %dma_start3A_44 = arith.constant 0 : i32
        %dma_start3A_45 = tpu.memref_slice %arg4[%add3A_30, %dma_start3A_44] : memref<2560x128xi32, #tpu.memory_space<hbm>> -> memref<16x128xi32, #tpu.memory_space<hbm>>
        tpu.enqueue_dma source(%dma_start3A_45 : memref<16x128xi32, #tpu.memory_space<hbm>>) target(%arg8 : memref<16x128xi32, #tpu.memory_space<vmem>>) target_semaphore(%run_scoped3A : memref<!tpu.dma_semaphore, #tpu.memory_space<semaphore_mem>>)
        %dma_wait3A = arith.constant 0 : i32
        %dma_wait3A_46 = tpu.memref_slice %arg4[%add3A_30, %dma_wait3A] : memref<2560x128xi32, #tpu.memory_space<hbm>> -> memref<16x128xi32, #tpu.memory_space<hbm>>
        %dma_wait3A_47 = arith.constant 0 : i32
        %dma_wait3A_48 = tpu.memref_slice %arg4[%add3A_30, %dma_wait3A_47] : memref<2560x128xi32, #tpu.memory_space<hbm>> -> memref<16x128xi32, #tpu.memory_space<hbm>>
        tpu.wait_dma2 semaphore(%run_scoped3A : memref<!tpu.dma_semaphore, #tpu.memory_space<semaphore_mem>>) src(%dma_wait3A_48 : memref<16x128xi32, #tpu.memory_space<hbm>>) dst(%arg8 : memref<16x128xi32, #tpu.memory_space<vmem>>)
        tpu.yield
      }) : () -> ()
      %dma_start3A = arith.constant 0 : i32
      %dma_start3A_31 = arith.constant 0 : i32
      %dma_start3A_32 = tpu.memref_slice %arg7[%dma_start3A, %dma_start3A_31] : memref<16x128xi32, #tpu.memory_space<vmem>> -> memref<1x128xi32, #tpu.memory_space<vmem>>
      %dma_start3A_33 = tpu.memref_squeeze %dma_start3A_32 : memref<1x128xi32, #tpu.memory_space<vmem>> -> memref<128xi32, #tpu.memory_space<vmem>>
      %dma_start3A_34 = arith.constant 0 : i32
      %dma_start3A_35 = arith.constant 0 : i32
      %dma_start3A_36 = tpu.memref_slice %arg2[%dma_start3A_34, %dma_start3A_35] : memref<10000x64xf32, #tpu.memory_space<hbm>> -> memref<10000x64xf32, #tpu.memory_space<hbm>>
      tpu.enqueue_indirect_dma source(%dma_start3A_36 : memref<10000x64xf32, #tpu.memory_space<hbm>>) target(%arg9 : memref<128x64xf32, #tpu.memory_space<vmem>>) offsets(%dma_start3A_33 : memref<128xi32, #tpu.memory_space<vmem>>) semaphore(%arg12 : memref<!tpu.dma_semaphore, #tpu.memory_space<semaphore_mem>>)
      %scan3A = arith.constant 0 : i32
      %scan3A_37 = arith.constant 0 : i32
      %scan3A_38 = arith.constant 8 : i32
      %scan3A_39 = arith.addi %scan3A_37, %scan3A_38 : i32
      %scan3A_40 = arith.constant 1 : i32
      scf.for %scan3A_42 = %scan3A_37 to %scan3A_39 step %scan3A_40  : i32 {
        %mul3A_43 = arith.constant 2 : i32
        %mul3A_44 = arith.muli %mul3A_43, %scan3A_42 : i32
        %dma_wait3A = arith.constant 0 : i32
        %dma_wait3A_45 = tpu.memref_slice %arg7[%mul3A_44, %dma_wait3A] : memref<16x128xi32, #tpu.memory_space<vmem>> -> memref<1x128xi32, #tpu.memory_space<vmem>>
        %dma_wait3A_46 = tpu.memref_squeeze %dma_wait3A_45 : memref<1x128xi32, #tpu.memory_space<vmem>> -> memref<128xi32, #tpu.memory_space<vmem>>
        %dma_wait3A_47 = arith.constant 0 : i32
        %dma_wait3A_48 = arith.constant 0 : i32
        %dma_wait3A_49 = tpu.memref_slice %arg2[%dma_wait3A_47, %dma_wait3A_48] : memref<10000x64xf32, #tpu.memory_space<hbm>> -> memref<10000x64xf32, #tpu.memory_space<hbm>>
        tpu.wait_indirect_dma semaphore(%arg12 : memref<!tpu.dma_semaphore, #tpu.memory_space<semaphore_mem>>) src(%dma_wait3A_49 : memref<10000x64xf32, #tpu.memory_space<hbm>>) dst(%arg9 : memref<128x64xf32, #tpu.memory_space<vmem>>)
        %add3A_50 = arith.constant 1 : i32
        %add3A_51 = arith.addi %mul3A_44, %add3A_50 : i32
        %dma_start3A_52 = arith.constant 0 : i32
        %dma_start3A_53 = tpu.memref_slice %arg7[%add3A_51, %dma_start3A_52] : memref<16x128xi32, #tpu.memory_space<vmem>> -> memref<1x128xi32, #tpu.memory_space<vmem>>
        %dma_start3A_54 = tpu.memref_squeeze %dma_start3A_53 : memref<1x128xi32, #tpu.memory_space<vmem>> -> memref<128xi32, #tpu.memory_space<vmem>>
        %dma_start3A_55 = arith.constant 0 : i32
        %dma_start3A_56 = arith.constant 0 : i32
        %dma_start3A_57 = tpu.memref_slice %arg2[%dma_start3A_55, %dma_start3A_56] : memref<10000x64xf32, #tpu.memory_space<hbm>> -> memref<10000x64xf32, #tpu.memory_space<hbm>>
        tpu.enqueue_indirect_dma source(%dma_start3A_57 : memref<10000x64xf32, #tpu.memory_space<hbm>>) target(%arg10 : memref<128x64xf32, #tpu.memory_space<vmem>>) offsets(%dma_start3A_54 : memref<128xi32, #tpu.memory_space<vmem>>) semaphore(%arg13 : memref<!tpu.dma_semaphore, #tpu.memory_space<semaphore_mem>>)
        "tpu.region"() ({
          %run_scoped3A = tpu.sem_alloc : memref<!tpu.dma_semaphore, #tpu.memory_space<semaphore_mem>>
          %dma_start3A_72 = arith.constant 0 : i32
          %dma_start3A_73 = tpu.memref_slice %arg8[%mul3A_44, %dma_start3A_72] : memref<16x128xi32, #tpu.memory_space<vmem>> -> memref<1x128xi32, #tpu.memory_space<vmem>>
          %dma_start3A_74 = tpu.memref_squeeze %dma_start3A_73 : memref<1x128xi32, #tpu.memory_space<vmem>> -> memref<128xi32, #tpu.memory_space<vmem>>
          %dma_start3A_75 = arith.constant 0 : i32
          %dma_start3A_76 = arith.constant 0 : i32
          %dma_start3A_77 = tpu.memref_slice %arg11[%dma_start3A_75, %dma_start3A_76] : memref<10400x64xf32, #tpu.memory_space<vmem_shared>> -> memref<10400x64xf32, #tpu.memory_space<vmem_shared>>
          tpu.enqueue_indirect_dma source(%arg9 : memref<128x64xf32, #tpu.memory_space<vmem>>) target(%dma_start3A_77 : memref<10400x64xf32, #tpu.memory_space<vmem_shared>>) offsets(%dma_start3A_74 : memref<128xi32, #tpu.memory_space<vmem>>) semaphore(%run_scoped3A : memref<!tpu.dma_semaphore, #tpu.memory_space<semaphore_mem>>) {add = true}
          %dma_wait3A_78 = arith.constant 0 : i32
          %dma_wait3A_79 = tpu.memref_slice %arg8[%mul3A_44, %dma_wait3A_78] : memref<16x128xi32, #tpu.memory_space<vmem>> -> memref<1x128xi32, #tpu.memory_space<vmem>>
          %dma_wait3A_80 = tpu.memref_squeeze %dma_wait3A_79 : memref<1x128xi32, #tpu.memory_space<vmem>> -> memref<128xi32, #tpu.memory_space<vmem>>
          %dma_wait3A_81 = arith.constant 0 : i32
          %dma_wait3A_82 = arith.constant 0 : i32
          %dma_wait3A_83 = tpu.memref_slice %arg11[%dma_wait3A_81, %dma_wait3A_82] : memref<10400x64xf32, #tpu.memory_space<vmem_shared>> -> memref<10400x64xf32, #tpu.memory_space<vmem_shared>>
          tpu.wait_indirect_dma semaphore(%run_scoped3A : memref<!tpu.dma_semaphore, #tpu.memory_space<semaphore_mem>>) src(%arg9 : memref<128x64xf32, #tpu.memory_space<vmem>>) dst(%dma_wait3A_83 : memref<10400x64xf32, #tpu.memory_space<vmem_shared>>)
          tpu.yield
        }) : () -> ()
        %add3A_58 = arith.constant 1 : i32
        %add3A_59 = arith.addi %mul3A_44, %add3A_58 : i32
        %dma_wait3A_60 = arith.constant 0 : i32
        %dma_wait3A_61 = tpu.memref_slice %arg7[%add3A_59, %dma_wait3A_60] : memref<16x128xi32, #tpu.memory_space<vmem>> -> memref<1x128xi32, #tpu.memory_space<vmem>>
        %dma_wait3A_62 = tpu.memref_squeeze %dma_wait3A_61 : memref<1x128xi32, #tpu.memory_space<vmem>> -> memref<128xi32, #tpu.memory_space<vmem>>
        %dma_wait3A_63 = arith.constant 0 : i32
        %dma_wait3A_64 = arith.constant 0 : i32
        %dma_wait3A_65 = tpu.memref_slice %arg2[%dma_wait3A_63, %dma_wait3A_64] : memref<10000x64xf32, #tpu.memory_space<hbm>> -> memref<10000x64xf32, #tpu.memory_space<hbm>>
        tpu.wait_indirect_dma semaphore(%arg13 : memref<!tpu.dma_semaphore, #tpu.memory_space<semaphore_mem>>) src(%dma_wait3A_65 : memref<10000x64xf32, #tpu.memory_space<hbm>>) dst(%arg10 : memref<128x64xf32, #tpu.memory_space<vmem>>)
        %lt3A = arith.constant 7 : i32
        %lt3A_66 = arith.cmpi slt, %scan3A_42, %lt3A : i32
        %convert_element_type3A_67 = arith.extui %lt3A_66 : i1 to i32
        %cond3A_68 = arith.constant 0 : i32
        %cond3A_69 = arith.cmpi ne, %convert_element_type3A_67, %cond3A_68 : i32
        scf.if %cond3A_69 {
          %add3A_72 = arith.constant 2 : i32
          %add3A_73 = arith.addi %mul3A_44, %add3A_72 : i32
          %dma_start3A_74 = arith.constant 0 : i32
          %dma_start3A_75 = tpu.memref_slice %arg7[%add3A_73, %dma_start3A_74] : memref<16x128xi32, #tpu.memory_space<vmem>> -> memref<1x128xi32, #tpu.memory_space<vmem>>
          %dma_start3A_76 = tpu.memref_squeeze %dma_start3A_75 : memref<1x128xi32, #tpu.memory_space<vmem>> -> memref<128xi32, #tpu.memory_space<vmem>>
          %dma_start3A_77 = arith.constant 0 : i32
          %dma_start3A_78 = arith.constant 0 : i32
          %dma_start3A_79 = tpu.memref_slice %arg2[%dma_start3A_77, %dma_start3A_78] : memref<10000x64xf32, #tpu.memory_space<hbm>> -> memref<10000x64xf32, #tpu.memory_space<hbm>>
          tpu.enqueue_indirect_dma source(%dma_start3A_79 : memref<10000x64xf32, #tpu.memory_space<hbm>>) target(%arg9 : memref<128x64xf32, #tpu.memory_space<vmem>>) offsets(%dma_start3A_76 : memref<128xi32, #tpu.memory_space<vmem>>) semaphore(%arg12 : memref<!tpu.dma_semaphore, #tpu.memory_space<semaphore_mem>>)
        } else {
        }
        %add3A_70 = arith.constant 1 : i32
        %add3A_71 = arith.addi %mul3A_44, %add3A_70 : i32
        "tpu.region"() ({
          %run_scoped3A = tpu.sem_alloc : memref<!tpu.dma_semaphore, #tpu.memory_space<semaphore_mem>>
          %dma_start3A_72 = arith.constant 0 : i32
          %dma_start3A_73 = tpu.memref_slice %arg8[%add3A_71, %dma_start3A_72] : memref<16x128xi32, #tpu.memory_space<vmem>> -> memref<1x128xi32, #tpu.memory_space<vmem>>
          %dma_start3A_74 = tpu.memref_squeeze %dma_start3A_73 : memref<1x128xi32, #tpu.memory_space<vmem>> -> memref<128xi32, #tpu.memory_space<vmem>>
          %dma_start3A_75 = arith.constant 0 : i32
          %dma_start3A_76 = arith.constant 0 : i32
          %dma_start3A_77 = tpu.memref_slice %arg11[%dma_start3A_75, %dma_start3A_76] : memref<10400x64xf32, #tpu.memory_space<vmem_shared>> -> memref<10400x64xf32, #tpu.memory_space<vmem_shared>>
          tpu.enqueue_indirect_dma source(%arg10 : memref<128x64xf32, #tpu.memory_space<vmem>>) target(%dma_start3A_77 : memref<10400x64xf32, #tpu.memory_space<vmem_shared>>) offsets(%dma_start3A_74 : memref<128xi32, #tpu.memory_space<vmem>>) semaphore(%run_scoped3A : memref<!tpu.dma_semaphore, #tpu.memory_space<semaphore_mem>>) {add = true}
          %dma_wait3A_78 = arith.constant 0 : i32
          %dma_wait3A_79 = tpu.memref_slice %arg8[%add3A_71, %dma_wait3A_78] : memref<16x128xi32, #tpu.memory_space<vmem>> -> memref<1x128xi32, #tpu.memory_space<vmem>>
          %dma_wait3A_80 = tpu.memref_squeeze %dma_wait3A_79 : memref<1x128xi32, #tpu.memory_space<vmem>> -> memref<128xi32, #tpu.memory_space<vmem>>
          %dma_wait3A_81 = arith.constant 0 : i32
          %dma_wait3A_82 = arith.constant 0 : i32
          %dma_wait3A_83 = tpu.memref_slice %arg11[%dma_wait3A_81, %dma_wait3A_82] : memref<10400x64xf32, #tpu.memory_space<vmem_shared>> -> memref<10400x64xf32, #tpu.memory_space<vmem_shared>>
          tpu.wait_indirect_dma semaphore(%run_scoped3A : memref<!tpu.dma_semaphore, #tpu.memory_space<semaphore_mem>>) src(%arg10 : memref<128x64xf32, #tpu.memory_space<vmem>>) dst(%dma_wait3A_83 : memref<10400x64xf32, #tpu.memory_space<vmem_shared>>)
          tpu.yield
        }) : () -> ()
      }
      %scan3A_41 = arith.constant 8 : i32
    }
    %while3A_20 = arith.constant 1 : i32
    scf.for %while3A_27 = %while3A_18 to %while3A_14 step %while3A_20  : i32 {
      %mul3A_28 = arith.constant 16 : i32
      %mul3A_29 = arith.muli %while3A_27, %mul3A_28 : i32
      %add3A_30 = arith.addi %select_n3A_8, %mul3A_29 : i32
      "tpu.region"() ({
        %run_scoped3A = tpu.sem_alloc : memref<!tpu.dma_semaphore, #tpu.memory_space<semaphore_mem>>
        %dma_start3A_42 = arith.constant 0 : i32
        %dma_start3A_43 = tpu.memref_slice %arg3[%add3A_30, %dma_start3A_42] : memref<2560x128xi32, #tpu.memory_space<hbm>> -> memref<16x128xi32, #tpu.memory_space<hbm>>
        %dma_start3A_44 = arith.constant 0 : i32
        %dma_start3A_45 = tpu.memref_slice %arg3[%add3A_30, %dma_start3A_44] : memref<2560x128xi32, #tpu.memory_space<hbm>> -> memref<16x128xi32, #tpu.memory_space<hbm>>
        tpu.enqueue_dma source(%dma_start3A_45 : memref<16x128xi32, #tpu.memory_space<hbm>>) target(%arg7 : memref<16x128xi32, #tpu.memory_space<vmem>>) target_semaphore(%run_scoped3A : memref<!tpu.dma_semaphore, #tpu.memory_space<semaphore_mem>>)
        %dma_wait3A = arith.constant 0 : i32
        %dma_wait3A_46 = tpu.memref_slice %arg3[%add3A_30, %dma_wait3A] : memref<2560x128xi32, #tpu.memory_space<hbm>> -> memref<16x128xi32, #tpu.memory_space<hbm>>
        %dma_wait3A_47 = arith.constant 0 : i32
        %dma_wait3A_48 = tpu.memref_slice %arg3[%add3A_30, %dma_wait3A_47] : memref<2560x128xi32, #tpu.memory_space<hbm>> -> memref<16x128xi32, #tpu.memory_space<hbm>>
        tpu.wait_dma2 semaphore(%run_scoped3A : memref<!tpu.dma_semaphore, #tpu.memory_space<semaphore_mem>>) src(%dma_wait3A_48 : memref<16x128xi32, #tpu.memory_space<hbm>>) dst(%arg7 : memref<16x128xi32, #tpu.memory_space<vmem>>)
        tpu.yield
      }) : () -> ()
      "tpu.region"() ({
        %run_scoped3A = tpu.sem_alloc : memref<!tpu.dma_semaphore, #tpu.memory_space<semaphore_mem>>
        %dma_start3A_42 = arith.constant 0 : i32
        %dma_start3A_43 = tpu.memref_slice %arg4[%add3A_30, %dma_start3A_42] : memref<2560x128xi32, #tpu.memory_space<hbm>> -> memref<16x128xi32, #tpu.memory_space<hbm>>
        %dma_start3A_44 = arith.constant 0 : i32
        %dma_start3A_45 = tpu.memref_slice %arg4[%add3A_30, %dma_start3A_44] : memref<2560x128xi32, #tpu.memory_space<hbm>> -> memref<16x128xi32, #tpu.memory_space<hbm>>
        tpu.enqueue_dma source(%dma_start3A_45 : memref<16x128xi32, #tpu.memory_space<hbm>>) target(%arg8 : memref<16x128xi32, #tpu.memory_space<vmem>>) target_semaphore(%run_scoped3A : memref<!tpu.dma_semaphore, #tpu.memory_space<semaphore_mem>>)
        %dma_wait3A = arith.constant 0 : i32
        %dma_wait3A_46 = tpu.memref_slice %arg4[%add3A_30, %dma_wait3A] : memref<2560x128xi32, #tpu.memory_space<hbm>> -> memref<16x128xi32, #tpu.memory_space<hbm>>
        %dma_wait3A_47 = arith.constant 0 : i32
        %dma_wait3A_48 = tpu.memref_slice %arg4[%add3A_30, %dma_wait3A_47] : memref<2560x128xi32, #tpu.memory_space<hbm>> -> memref<16x128xi32, #tpu.memory_space<hbm>>
        tpu.wait_dma2 semaphore(%run_scoped3A : memref<!tpu.dma_semaphore, #tpu.memory_space<semaphore_mem>>) src(%dma_wait3A_48 : memref<16x128xi32, #tpu.memory_space<hbm>>) dst(%arg8 : memref<16x128xi32, #tpu.memory_space<vmem>>)
        tpu.yield
      }) : () -> ()
      %dma_start3A = arith.constant 0 : i32
      %dma_start3A_31 = arith.constant 0 : i32
      %dma_start3A_32 = tpu.memref_slice %arg7[%dma_start3A, %dma_start3A_31] : memref<16x128xi32, #tpu.memory_space<vmem>> -> memref<1x128xi32, #tpu.memory_space<vmem>>
      %dma_start3A_33 = tpu.memref_squeeze %dma_start3A_32 : memref<1x128xi32, #tpu.memory_space<vmem>> -> memref<128xi32, #tpu.memory_space<vmem>>
      %dma_start3A_34 = arith.constant 0 : i32
      %dma_start3A_35 = arith.constant 0 : i32
      %dma_start3A_36 = tpu.memref_slice %arg2[%dma_start3A_34, %dma_start3A_35] : memref<10000x64xf32, #tpu.memory_space<hbm>> -> memref<10000x64xf32, #tpu.memory_space<hbm>>
      tpu.enqueue_indirect_dma source(%dma_start3A_36 : memref<10000x64xf32, #tpu.memory_space<hbm>>) target(%arg9 : memref<128x64xf32, #tpu.memory_space<vmem>>) offsets(%dma_start3A_33 : memref<128xi32, #tpu.memory_space<vmem>>) semaphore(%arg12 : memref<!tpu.dma_semaphore, #tpu.memory_space<semaphore_mem>>)
      %scan3A = arith.constant 0 : i32
      %scan3A_37 = arith.constant 0 : i32
      %scan3A_38 = arith.constant 8 : i32
      %scan3A_39 = arith.addi %scan3A_37, %scan3A_38 : i32
      %scan3A_40 = arith.constant 1 : i32
      scf.for %scan3A_42 = %scan3A_37 to %scan3A_39 step %scan3A_40  : i32 {
        %mul3A_43 = arith.constant 2 : i32
        %mul3A_44 = arith.muli %mul3A_43, %scan3A_42 : i32
        %dma_wait3A = arith.constant 0 : i32
        %dma_wait3A_45 = tpu.memref_slice %arg7[%mul3A_44, %dma_wait3A] : memref<16x128xi32, #tpu.memory_space<vmem>> -> memref<1x128xi32, #tpu.memory_space<vmem>>
        %dma_wait3A_46 = tpu.memref_squeeze %dma_wait3A_45 : memref<1x128xi32, #tpu.memory_space<vmem>> -> memref<128xi32, #tpu.memory_space<vmem>>
        %dma_wait3A_47 = arith.constant 0 : i32
        %dma_wait3A_48 = arith.constant 0 : i32
        %dma_wait3A_49 = tpu.memref_slice %arg2[%dma_wait3A_47, %dma_wait3A_48] : memref<10000x64xf32, #tpu.memory_space<hbm>> -> memref<10000x64xf32, #tpu.memory_space<hbm>>
        tpu.wait_indirect_dma semaphore(%arg12 : memref<!tpu.dma_semaphore, #tpu.memory_space<semaphore_mem>>) src(%dma_wait3A_49 : memref<10000x64xf32, #tpu.memory_space<hbm>>) dst(%arg9 : memref<128x64xf32, #tpu.memory_space<vmem>>)
        %add3A_50 = arith.constant 1 : i32
        %add3A_51 = arith.addi %mul3A_44, %add3A_50 : i32
        %dma_start3A_52 = arith.constant 0 : i32
        %dma_start3A_53 = tpu.memref_slice %arg7[%add3A_51, %dma_start3A_52] : memref<16x128xi32, #tpu.memory_space<vmem>> -> memref<1x128xi32, #tpu.memory_space<vmem>>
        %dma_start3A_54 = tpu.memref_squeeze %dma_start3A_53 : memref<1x128xi32, #tpu.memory_space<vmem>> -> memref<128xi32, #tpu.memory_space<vmem>>
        %dma_start3A_55 = arith.constant 0 : i32
        %dma_start3A_56 = arith.constant 0 : i32
        %dma_start3A_57 = tpu.memref_slice %arg2[%dma_start3A_55, %dma_start3A_56] : memref<10000x64xf32, #tpu.memory_space<hbm>> -> memref<10000x64xf32, #tpu.memory_space<hbm>>
        tpu.enqueue_indirect_dma source(%dma_start3A_57 : memref<10000x64xf32, #tpu.memory_space<hbm>>) target(%arg10 : memref<128x64xf32, #tpu.memory_space<vmem>>) offsets(%dma_start3A_54 : memref<128xi32, #tpu.memory_space<vmem>>) semaphore(%arg13 : memref<!tpu.dma_semaphore, #tpu.memory_space<semaphore_mem>>)
        "tpu.region"() ({
          %run_scoped3A = tpu.sem_alloc : memref<!tpu.dma_semaphore, #tpu.memory_space<semaphore_mem>>
          %dma_start3A_72 = arith.constant 0 : i32
          %dma_start3A_73 = tpu.memref_slice %arg8[%mul3A_44, %dma_start3A_72] : memref<16x128xi32, #tpu.memory_space<vmem>> -> memref<1x128xi32, #tpu.memory_space<vmem>>
          %dma_start3A_74 = tpu.memref_squeeze %dma_start3A_73 : memref<1x128xi32, #tpu.memory_space<vmem>> -> memref<128xi32, #tpu.memory_space<vmem>>
          %dma_start3A_75 = arith.constant 0 : i32
          %dma_start3A_76 = arith.constant 0 : i32
          %dma_start3A_77 = tpu.memref_slice %arg11[%dma_start3A_75, %dma_start3A_76] : memref<10400x64xf32, #tpu.memory_space<vmem_shared>> -> memref<10400x64xf32, #tpu.memory_space<vmem_shared>>
          tpu.enqueue_indirect_dma source(%arg9 : memref<128x64xf32, #tpu.memory_space<vmem>>) target(%dma_start3A_77 : memref<10400x64xf32, #tpu.memory_space<vmem_shared>>) offsets(%dma_start3A_74 : memref<128xi32, #tpu.memory_space<vmem>>) semaphore(%run_scoped3A : memref<!tpu.dma_semaphore, #tpu.memory_space<semaphore_mem>>) {add = true}
          %dma_wait3A_78 = arith.constant 0 : i32
          %dma_wait3A_79 = tpu.memref_slice %arg8[%mul3A_44, %dma_wait3A_78] : memref<16x128xi32, #tpu.memory_space<vmem>> -> memref<1x128xi32, #tpu.memory_space<vmem>>
          %dma_wait3A_80 = tpu.memref_squeeze %dma_wait3A_79 : memref<1x128xi32, #tpu.memory_space<vmem>> -> memref<128xi32, #tpu.memory_space<vmem>>
          %dma_wait3A_81 = arith.constant 0 : i32
          %dma_wait3A_82 = arith.constant 0 : i32
          %dma_wait3A_83 = tpu.memref_slice %arg11[%dma_wait3A_81, %dma_wait3A_82] : memref<10400x64xf32, #tpu.memory_space<vmem_shared>> -> memref<10400x64xf32, #tpu.memory_space<vmem_shared>>
          tpu.wait_indirect_dma semaphore(%run_scoped3A : memref<!tpu.dma_semaphore, #tpu.memory_space<semaphore_mem>>) src(%arg9 : memref<128x64xf32, #tpu.memory_space<vmem>>) dst(%dma_wait3A_83 : memref<10400x64xf32, #tpu.memory_space<vmem_shared>>)
          tpu.yield
        }) : () -> ()
        %add3A_58 = arith.constant 1 : i32
        %add3A_59 = arith.addi %mul3A_44, %add3A_58 : i32
        %dma_wait3A_60 = arith.constant 0 : i32
        %dma_wait3A_61 = tpu.memref_slice %arg7[%add3A_59, %dma_wait3A_60] : memref<16x128xi32, #tpu.memory_space<vmem>> -> memref<1x128xi32, #tpu.memory_space<vmem>>
        %dma_wait3A_62 = tpu.memref_squeeze %dma_wait3A_61 : memref<1x128xi32, #tpu.memory_space<vmem>> -> memref<128xi32, #tpu.memory_space<vmem>>
        %dma_wait3A_63 = arith.constant 0 : i32
        %dma_wait3A_64 = arith.constant 0 : i32
        %dma_wait3A_65 = tpu.memref_slice %arg2[%dma_wait3A_63, %dma_wait3A_64] : memref<10000x64xf32, #tpu.memory_space<hbm>> -> memref<10000x64xf32, #tpu.memory_space<hbm>>
        tpu.wait_indirect_dma semaphore(%arg13 : memref<!tpu.dma_semaphore, #tpu.memory_space<semaphore_mem>>) src(%dma_wait3A_65 : memref<10000x64xf32, #tpu.memory_space<hbm>>) dst(%arg10 : memref<128x64xf32, #tpu.memory_space<vmem>>)
        %lt3A = arith.constant 7 : i32
        %lt3A_66 = arith.cmpi slt, %scan3A_42, %lt3A : i32
        %convert_element_type3A_67 = arith.extui %lt3A_66 : i1 to i32
        %cond3A_68 = arith.constant 0 : i32
        %cond3A_69 = arith.cmpi ne, %convert_element_type3A_67, %cond3A_68 : i32
        scf.if %cond3A_69 {
          %add3A_72 = arith.constant 2 : i32
          %add3A_73 = arith.addi %mul3A_44, %add3A_72 : i32
          %dma_start3A_74 = arith.constant 0 : i32
          %dma_start3A_75 = tpu.memref_slice %arg7[%add3A_73, %dma_start3A_74] : memref<16x128xi32, #tpu.memory_space<vmem>> -> memref<1x128xi32, #tpu.memory_space<vmem>>
          %dma_start3A_76 = tpu.memref_squeeze %dma_start3A_75 : memref<1x128xi32, #tpu.memory_space<vmem>> -> memref<128xi32, #tpu.memory_space<vmem>>
          %dma_start3A_77 = arith.constant 0 : i32
          %dma_start3A_78 = arith.constant 0 : i32
          %dma_start3A_79 = tpu.memref_slice %arg2[%dma_start3A_77, %dma_start3A_78] : memref<10000x64xf32, #tpu.memory_space<hbm>> -> memref<10000x64xf32, #tpu.memory_space<hbm>>
          tpu.enqueue_indirect_dma source(%dma_start3A_79 : memref<10000x64xf32, #tpu.memory_space<hbm>>) target(%arg9 : memref<128x64xf32, #tpu.memory_space<vmem>>) offsets(%dma_start3A_76 : memref<128xi32, #tpu.memory_space<vmem>>) semaphore(%arg12 : memref<!tpu.dma_semaphore, #tpu.memory_space<semaphore_mem>>)
        } else {
        }
        %add3A_70 = arith.constant 1 : i32
        %add3A_71 = arith.addi %mul3A_44, %add3A_70 : i32
        "tpu.region"() ({
          %run_scoped3A = tpu.sem_alloc : memref<!tpu.dma_semaphore, #tpu.memory_space<semaphore_mem>>
          %dma_start3A_72 = arith.constant 0 : i32
          %dma_start3A_73 = tpu.memref_slice %arg8[%add3A_71, %dma_start3A_72] : memref<16x128xi32, #tpu.memory_space<vmem>> -> memref<1x128xi32, #tpu.memory_space<vmem>>
          %dma_start3A_74 = tpu.memref_squeeze %dma_start3A_73 : memref<1x128xi32, #tpu.memory_space<vmem>> -> memref<128xi32, #tpu.memory_space<vmem>>
          %dma_start3A_75 = arith.constant 0 : i32
          %dma_start3A_76 = arith.constant 0 : i32
          %dma_start3A_77 = tpu.memref_slice %arg11[%dma_start3A_75, %dma_start3A_76] : memref<10400x64xf32, #tpu.memory_space<vmem_shared>> -> memref<10400x64xf32, #tpu.memory_space<vmem_shared>>
          tpu.enqueue_indirect_dma source(%arg10 : memref<128x64xf32, #tpu.memory_space<vmem>>) target(%dma_start3A_77 : memref<10400x64xf32, #tpu.memory_space<vmem_shared>>) offsets(%dma_start3A_74 : memref<128xi32, #tpu.memory_space<vmem>>) semaphore(%run_scoped3A : memref<!tpu.dma_semaphore, #tpu.memory_space<semaphore_mem>>) {add = true}
          %dma_wait3A_78 = arith.constant 0 : i32
          %dma_wait3A_79 = tpu.memref_slice %arg8[%add3A_71, %dma_wait3A_78] : memref<16x128xi32, #tpu.memory_space<vmem>> -> memref<1x128xi32, #tpu.memory_space<vmem>>
          %dma_wait3A_80 = tpu.memref_squeeze %dma_wait3A_79 : memref<1x128xi32, #tpu.memory_space<vmem>> -> memref<128xi32, #tpu.memory_space<vmem>>
          %dma_wait3A_81 = arith.constant 0 : i32
          %dma_wait3A_82 = arith.constant 0 : i32
          %dma_wait3A_83 = tpu.memref_slice %arg11[%dma_wait3A_81, %dma_wait3A_82] : memref<10400x64xf32, #tpu.memory_space<vmem_shared>> -> memref<10400x64xf32, #tpu.memory_space<vmem_shared>>
          tpu.wait_indirect_dma semaphore(%run_scoped3A : memref<!tpu.dma_semaphore, #tpu.memory_space<semaphore_mem>>) src(%arg10 : memref<128x64xf32, #tpu.memory_space<vmem>>) dst(%dma_wait3A_83 : memref<10400x64xf32, #tpu.memory_space<vmem_shared>>)
          tpu.yield
        }) : () -> ()
      }
      %scan3A_41 = arith.constant 8 : i32
    }
    %barrier3A_21 = arith.constant 0 : index
    tpu.barrier barrier_id(%barrier3A_21)
    %eq3A_22 = arith.constant 0 : i32
    %eq3A_23 = arith.cmpi eq, %arg1, %eq3A_22 : i32
    %convert_element_type3A_24 = arith.extui %eq3A_23 : i1 to i32
    %cond3A_25 = arith.constant 0 : i32
    %cond3A_26 = arith.cmpi ne, %convert_element_type3A_24, %cond3A_25 : i32
    scf.if %cond3A_26 {
      "tpu.region"() ({
        %run_scoped3A = tpu.sem_alloc : memref<!tpu.dma_semaphore, #tpu.memory_space<semaphore_mem>>
        %dma_start3A = arith.constant 0 : i32
        %dma_start3A_27 = arith.constant 0 : i32
        %dma_start3A_28 = tpu.memref_slice %arg6[%arg0, %dma_start3A, %dma_start3A_27] : memref<2x10400x64xf32, #tpu.memory_space<hbm>> -> memref<1x10400x64xf32, #tpu.memory_space<hbm>>
        %dma_start3A_29 = tpu.memref_squeeze %dma_start3A_28 : memref<1x10400x64xf32, #tpu.memory_space<hbm>> -> memref<10400x64xf32, #tpu.memory_space<hbm>>
        tpu.enqueue_dma source(%arg11 : memref<10400x64xf32, #tpu.memory_space<vmem_shared>>) target(%dma_start3A_29 : memref<10400x64xf32, #tpu.memory_space<hbm>>) target_semaphore(%run_scoped3A : memref<!tpu.dma_semaphore, #tpu.memory_space<semaphore_mem>>)
        %dma_wait3A = arith.constant 0 : i32
        %dma_wait3A_30 = arith.constant 0 : i32
        %dma_wait3A_31 = tpu.memref_slice %arg6[%arg0, %dma_wait3A, %dma_wait3A_30] : memref<2x10400x64xf32, #tpu.memory_space<hbm>> -> memref<1x10400x64xf32, #tpu.memory_space<hbm>>
        %dma_wait3A_32 = tpu.memref_squeeze %dma_wait3A_31 : memref<1x10400x64xf32, #tpu.memory_space<hbm>> -> memref<10400x64xf32, #tpu.memory_space<hbm>>
        tpu.wait_dma2 semaphore(%run_scoped3A : memref<!tpu.dma_semaphore, #tpu.memory_space<semaphore_mem>>) src(%arg11 : memref<10400x64xf32, #tpu.memory_space<vmem_shared>>) dst(%dma_wait3A_32 : memref<10400x64xf32, #tpu.memory_space<hbm>>)
        tpu.yield
      }) : () -> ()
    } else {
    }
    return
  }
}

module attributes {stable_mosaic.version = 14 : i64} {
  func.func @_mm_body(%arg0: i32, %arg1: memref<400x128xf32, #tpu.memory_space<vmem>>, %arg2: memref<128x64xf32, #tpu.memory_space<vmem>>, %arg3: memref<400x64xf32, #tpu.memory_space<vmem>>) attributes {dimension_semantics = [#tpu.dimension_semantics<arbitrary>], iteration_bounds = array<i64: 25>, scalar_prefetch = 0 : i64, scratch_operands = 0 : i64, tpu.core_type = #tpu.core_type<tc>, window_params = [{transform_indices = @transform_0, window_bounds = array<i64: 400, 128>}, {pipeline_mode = #tpu.pipeline_mode<synchronous>, transform_indices = @transform_1, window_bounds = array<i64: 128, 64>}, {transform_indices = @transform_2, window_bounds = array<i64: 400, 64>}]} {
    %get3A = arith.constant 0 : index
    %get3A_0 = arith.constant 0 : index
    %get3A_1 = vector.load %arg1[%get3A, %get3A_0] : memref<400x128xf32, #tpu.memory_space<vmem>>, vector<400x128xf32>
    %get3A_2 = arith.constant 0 : index
    %get3A_3 = arith.constant 0 : index
    %get3A_4 = vector.load %arg2[%get3A_2, %get3A_3] : memref<128x64xf32, #tpu.memory_space<vmem>>, vector<128x64xf32>
    %dot_general3A = arith.constant dense<0.000000e+00> : vector<400x64xf32>
    %dot_general3A_5 = tpu.matmul %get3A_1, %get3A_4, %dot_general3A {dimension_numbers = #tpu.dot_dimension_numbers<[1], [0], [0], [1], [0, 0, 1, 1], [], []>, transpose_lhs_hint = false} : vector<400x128xf32>, vector<128x64xf32>, vector<400x64xf32> -> vector<400x64xf32>
    %swap3A = arith.constant 0 : index
    %swap3A_6 = arith.constant 0 : index
    %swap3A_7 = vector.load %arg3[%swap3A, %swap3A_6] : memref<400x64xf32, #tpu.memory_space<vmem>>, vector<400x64xf32>
    tpu.vector_store %arg3[%swap3A, %swap3A_6], %dot_general3A_5 {strides = array<i32>} : memref<400x64xf32, #tpu.memory_space<vmem>>, vector<400x64xf32>,
    return
  }
  func.func @transform_0(%arg0: i32) -> (i32, i32) {
    %c0_i32 = arith.constant 0 : i32
    %c0_i32_0 = arith.constant 0 : i32
    return %arg0, %c0_i32 : i32, i32
  }
  func.func @transform_1(%arg0: i32) -> (i32, i32) {
    %c0_i32 = arith.constant 0 : i32
    %c0_i32_0 = arith.constant 0 : i32
    %c0_i32_1 = arith.constant 0 : i32
    return %c0_i32, %c0_i32_0 : i32, i32
  }
  func.func @transform_2(%arg0: i32) -> (i32, i32) {
    %c0_i32 = arith.constant 0 : i32
    %c0_i32_0 = arith.constant 0 : i32
    return %arg0, %c0_i32 : i32, i32
  }
}

module attributes {stable_mosaic.version = 14 : i64} {
  func.func @_d_body(%arg0: i32, %arg1: memref<400x64xf32, #tpu.memory_space<vmem>>, %arg2: memref<400x1xf32, #tpu.memory_space<vmem>>, %arg3: memref<400x64xf32, #tpu.memory_space<vmem>>, %arg4: memref<400x1xf32, #tpu.memory_space<vmem>>) attributes {dimension_semantics = [#tpu.dimension_semantics<arbitrary>], iteration_bounds = array<i64: 25>, scalar_prefetch = 0 : i64, scratch_operands = 0 : i64, tpu.core_type = #tpu.core_type<tc>, window_params = [{transform_indices = @transform_0, window_bounds = array<i64: 400, 64>}, {transform_indices = @transform_1, window_bounds = array<i64: 400, 1>}, {transform_indices = @transform_2, window_bounds = array<i64: 400, 64>}, {transform_indices = @transform_3, window_bounds = array<i64: 400, 1>}]} {
    %get3A = arith.constant 0 : index
    %get3A_0 = arith.constant 0 : index
    %get3A_1 = vector.load %arg2[%get3A, %get3A_0] : memref<400x1xf32, #tpu.memory_space<vmem>>, vector<400x1xf32>
    %add3A = arith.constant 1.000000e+00 : f32
    %add3A_2 = vector.broadcast %add3A : f32 to vector<400x1xf32>
    %add3A_3 = arith.addf %get3A_1, %add3A_2 : vector<400x1xf32>
    %rsqrt3A = math.rsqrt %add3A_3 : vector<400x1xf32>
    %swap3A = arith.constant 0 : index
    %swap3A_4 = arith.constant 0 : index
    %swap3A_5 = vector.load %arg4[%swap3A, %swap3A_4] : memref<400x1xf32, #tpu.memory_space<vmem>>, vector<400x1xf32>
    tpu.vector_store %arg4[%swap3A, %swap3A_4], %rsqrt3A {strides = array<i32>} : memref<400x1xf32, #tpu.memory_space<vmem>>, vector<400x1xf32>,
    %get3A_6 = arith.constant 0 : index
    %get3A_7 = arith.constant 0 : index
    %get3A_8 = vector.load %arg1[%get3A_6, %get3A_7] : memref<400x64xf32, #tpu.memory_space<vmem>>, vector<400x64xf32>
    %mul3A = vector.broadcast %rsqrt3A : vector<400x1xf32> to vector<400x64xf32>
    %mul3A_9 = arith.mulf %get3A_8, %mul3A : vector<400x64xf32>
    %swap3A_10 = arith.constant 0 : index
    %swap3A_11 = arith.constant 0 : index
    %swap3A_12 = vector.load %arg3[%swap3A_10, %swap3A_11] : memref<400x64xf32, #tpu.memory_space<vmem>>, vector<400x64xf32>
    tpu.vector_store %arg3[%swap3A_10, %swap3A_11], %mul3A_9 {strides = array<i32>} : memref<400x64xf32, #tpu.memory_space<vmem>>, vector<400x64xf32>,
    return
  }
  func.func @transform_0(%arg0: i32) -> (i32, i32) {
    %c0_i32 = arith.constant 0 : i32
    %c0_i32_0 = arith.constant 0 : i32
    return %arg0, %c0_i32 : i32, i32
  }
  func.func @transform_1(%arg0: i32) -> (i32, i32) {
    %c0_i32 = arith.constant 0 : i32
    %c0_i32_0 = arith.constant 0 : i32
    return %arg0, %c0_i32 : i32, i32
  }
  func.func @transform_2(%arg0: i32) -> (i32, i32) {
    %c0_i32 = arith.constant 0 : i32
    %c0_i32_0 = arith.constant 0 : i32
    return %arg0, %c0_i32 : i32, i32
  }
  func.func @transform_3(%arg0: i32) -> (i32, i32) {
    %c0_i32 = arith.constant 0 : i32
    %c0_i32_0 = arith.constant 0 : i32
    return %arg0, %c0_i32 : i32, i32
  }
}

module attributes {stable_mosaic.version = 14 : i64} {
  func.func @_c1_body(%arg0: i32, %arg1: memref<2x400x64xf32, #tpu.memory_space<vmem>>, %arg2: memref<400x64xf32, #tpu.memory_space<vmem>>, %arg3: memref<400x1xf32, #tpu.memory_space<vmem>>, %arg4: memref<1x64xf32, #tpu.memory_space<vmem>>, %arg5: memref<64x64xf32, #tpu.memory_space<vmem>>, %arg6: memref<400x64xf32, #tpu.memory_space<vmem>>) attributes {dimension_semantics = [#tpu.dimension_semantics<arbitrary>], iteration_bounds = array<i64: 25>, scalar_prefetch = 0 : i64, scratch_operands = 0 : i64, tpu.core_type = #tpu.core_type<tc>, window_params = [{transform_indices = @transform_0, window_bounds = array<i64: 2, 400, 64>}, {transform_indices = @transform_1, window_bounds = array<i64: 400, 64>}, {transform_indices = @transform_2, window_bounds = array<i64: 400, 1>}, {pipeline_mode = #tpu.pipeline_mode<synchronous>, transform_indices = @transform_3, window_bounds = array<i64: 1, 64>}, {pipeline_mode = #tpu.pipeline_mode<synchronous>, transform_indices = @transform_4, window_bounds = array<i64: 64, 64>}, {transform_indices = @transform_5, window_bounds = array<i64: 400, 64>}]} {
    %get3A = arith.constant 0 : index
    %get3A_0 = arith.constant 0 : index
    %get3A_1 = arith.constant 0 : index
    %get3A_2 = vector.load %arg1[%get3A, %get3A_0, %get3A_1] : memref<2x400x64xf32, #tpu.memory_space<vmem>>, vector<1x400x64xf32>
    %get3A_3 = vector.shape_cast %get3A_2 : vector<1x400x64xf32> to vector<400x64xf32>
    %get3A_4 = arith.constant 1 : index
    %get3A_5 = arith.constant 0 : index
    %get3A_6 = arith.constant 0 : index
    %get3A_7 = vector.load %arg1[%get3A_4, %get3A_5, %get3A_6] : memref<2x400x64xf32, #tpu.memory_space<vmem>>, vector<1x400x64xf32>
    %get3A_8 = vector.shape_cast %get3A_7 : vector<1x400x64xf32> to vector<400x64xf32>
    %add3A = arith.addf %get3A_3, %get3A_8 : vector<400x64xf32>
    %get3A_9 = arith.constant 0 : index
    %get3A_10 = arith.constant 0 : index
    %get3A_11 = vector.load %arg2[%get3A_9, %get3A_10] : memref<400x64xf32, #tpu.memory_space<vmem>>, vector<400x64xf32>
    %add3A_12 = arith.addf %add3A, %get3A_11 : vector<400x64xf32>
    %get3A_13 = arith.constant 0 : index
    %get3A_14 = arith.constant 0 : index
    %get3A_15 = vector.load %arg3[%get3A_13, %get3A_14] : memref<400x1xf32, #tpu.memory_space<vmem>>, vector<400x1xf32>
    %mul3A = vector.broadcast %get3A_15 : vector<400x1xf32> to vector<400x64xf32>
    %mul3A_16 = arith.mulf %mul3A, %add3A_12 : vector<400x64xf32>
    %get3A_17 = arith.constant 0 : index
    %get3A_18 = arith.constant 0 : index
    %get3A_19 = vector.load %arg4[%get3A_17, %get3A_18] : memref<1x64xf32, #tpu.memory_space<vmem>>, vector<1x64xf32>
    %add3A_20 = vector.broadcast %get3A_19 : vector<1x64xf32> to vector<400x64xf32>
    %add3A_21 = arith.addf %mul3A_16, %add3A_20 : vector<400x64xf32>
    %max3A = arith.constant 0.000000e+00 : f32
    %max3A_22 = vector.broadcast %max3A : f32 to vector<400x64xf32>
    %max3A_23 = arith.maximumf %add3A_21, %max3A_22 : vector<400x64xf32>
    %get3A_24 = arith.constant 0 : index
    %get3A_25 = arith.constant 0 : index
    %get3A_26 = vector.load %arg5[%get3A_24, %get3A_25] : memref<64x64xf32, #tpu.memory_space<vmem>>, vector<64x64xf32>
    %dot_general3A = arith.constant dense<0.000000e+00> : vector<400x64xf32>
    %dot_general3A_27 = tpu.matmul %max3A_23, %get3A_26, %dot_general3A {dimension_numbers = #tpu.dot_dimension_numbers<[1], [0], [0], [1], [0, 0, 1, 1], [], []>, transpose_lhs_hint = false} : vector<400x64xf32>, vector<64x64xf32>, vector<400x64xf32> -> vector<400x64xf32>
    %mul3A_28 = vector.broadcast %get3A_15 : vector<400x1xf32> to vector<400x64xf32>
    %mul3A_29 = arith.mulf %mul3A_28, %dot_general3A_27 : vector<400x64xf32>
    %swap3A = arith.constant 0 : index
    %swap3A_30 = arith.constant 0 : index
    %swap3A_31 = vector.load %arg6[%swap3A, %swap3A_30] : memref<400x64xf32, #tpu.memory_space<vmem>>, vector<400x64xf32>
    tpu.vector_store %arg6[%swap3A, %swap3A_30], %mul3A_29 {strides = array<i32>} : memref<400x64xf32, #tpu.memory_space<vmem>>, vector<400x64xf32>,
    return
  }
  func.func @transform_0(%arg0: i32) -> (i32, i32, i32) {
    %c0_i32 = arith.constant 0 : i32
    %c0_i32_0 = arith.constant 0 : i32
    %c0_i32_1 = arith.constant 0 : i32
    return %c0_i32, %arg0, %c0_i32_0 : i32, i32, i32
  }
  func.func @transform_1(%arg0: i32) -> (i32, i32) {
    %c0_i32 = arith.constant 0 : i32
    %c0_i32_0 = arith.constant 0 : i32
    return %arg0, %c0_i32 : i32, i32
  }
  func.func @transform_2(%arg0: i32) -> (i32, i32) {
    %c0_i32 = arith.constant 0 : i32
    %c0_i32_0 = arith.constant 0 : i32
    return %arg0, %c0_i32 : i32, i32
  }
  func.func @transform_3(%arg0: i32) -> (i32, i32) {
    %c0_i32 = arith.constant 0 : i32
    %c0_i32_0 = arith.constant 0 : i32
    %c0_i32_1 = arith.constant 0 : i32
    return %c0_i32, %c0_i32_0 : i32, i32
  }
  func.func @transform_4(%arg0: i32) -> (i32, i32) {
    %c0_i32 = arith.constant 0 : i32
    %c0_i32_0 = arith.constant 0 : i32
    %c0_i32_1 = arith.constant 0 : i32
    return %c0_i32, %c0_i32_0 : i32, i32
  }
  func.func @transform_5(%arg0: i32) -> (i32, i32) {
    %c0_i32 = arith.constant 0 : i32
    %c0_i32_0 = arith.constant 0 : i32
    return %arg0, %c0_i32 : i32, i32
  }
}

module attributes {stable_mosaic.version = 14 : i64} {
  func.func @_c2_body(%arg0: i32, %arg1: memref<2x400x64xf32, #tpu.memory_space<vmem>>, %arg2: memref<400x64xf32, #tpu.memory_space<vmem>>, %arg3: memref<400x1xf32, #tpu.memory_space<vmem>>, %arg4: memref<1x64xf32, #tpu.memory_space<vmem>>, %arg5: memref<1x64xf32, #tpu.memory_space<vmem>>, %arg6: memref<1x1xf32, #tpu.memory_space<vmem>>, %arg7: memref<400x1xf32, #tpu.memory_space<vmem>>) attributes {dimension_semantics = [#tpu.dimension_semantics<arbitrary>], iteration_bounds = array<i64: 25>, scalar_prefetch = 0 : i64, scratch_operands = 0 : i64, tpu.core_type = #tpu.core_type<tc>, window_params = [{transform_indices = @transform_0, window_bounds = array<i64: 2, 400, 64>}, {transform_indices = @transform_1, window_bounds = array<i64: 400, 64>}, {transform_indices = @transform_2, window_bounds = array<i64: 400, 1>}, {pipeline_mode = #tpu.pipeline_mode<synchronous>, transform_indices = @transform_3, window_bounds = array<i64: 1, 64>}, {pipeline_mode = #tpu.pipeline_mode<synchronous>, transform_indices = @transform_4, window_bounds = array<i64: 1, 64>}, {pipeline_mode = #tpu.pipeline_mode<synchronous>, transform_indices = @transform_5, window_bounds = array<i64: 1, 1>}, {transform_indices = @transform_6, window_bounds = array<i64: 400, 1>}]} {
    %get3A = arith.constant 0 : index
    %get3A_0 = arith.constant 0 : index
    %get3A_1 = arith.constant 0 : index
    %get3A_2 = vector.load %arg1[%get3A, %get3A_0, %get3A_1] : memref<2x400x64xf32, #tpu.memory_space<vmem>>, vector<1x400x64xf32>
    %get3A_3 = vector.shape_cast %get3A_2 : vector<1x400x64xf32> to vector<400x64xf32>
    %get3A_4 = arith.constant 1 : index
    %get3A_5 = arith.constant 0 : index
    %get3A_6 = arith.constant 0 : index
    %get3A_7 = vector.load %arg1[%get3A_4, %get3A_5, %get3A_6] : memref<2x400x64xf32, #tpu.memory_space<vmem>>, vector<1x400x64xf32>
    %get3A_8 = vector.shape_cast %get3A_7 : vector<1x400x64xf32> to vector<400x64xf32>
    %add3A = arith.addf %get3A_3, %get3A_8 : vector<400x64xf32>
    %get3A_9 = arith.constant 0 : index
    %get3A_10 = arith.constant 0 : index
    %get3A_11 = vector.load %arg2[%get3A_9, %get3A_10] : memref<400x64xf32, #tpu.memory_space<vmem>>, vector<400x64xf32>
    %add3A_12 = arith.addf %add3A, %get3A_11 : vector<400x64xf32>
    %get3A_13 = arith.constant 0 : index
    %get3A_14 = arith.constant 0 : index
    %get3A_15 = vector.load %arg3[%get3A_13, %get3A_14] : memref<400x1xf32, #tpu.memory_space<vmem>>, vector<400x1xf32>
    %mul3A = vector.broadcast %get3A_15 : vector<400x1xf32> to vector<400x64xf32>
    %mul3A_16 = arith.mulf %mul3A, %add3A_12 : vector<400x64xf32>
    %get3A_17 = arith.constant 0 : index
    %get3A_18 = arith.constant 0 : index
    %get3A_19 = vector.load %arg4[%get3A_17, %get3A_18] : memref<1x64xf32, #tpu.memory_space<vmem>>, vector<1x64xf32>
    %add3A_20 = vector.broadcast %get3A_19 : vector<1x64xf32> to vector<400x64xf32>
    %add3A_21 = arith.addf %mul3A_16, %add3A_20 : vector<400x64xf32>
    %max3A = arith.constant 0.000000e+00 : f32
    %max3A_22 = vector.broadcast %max3A : f32 to vector<400x64xf32>
    %max3A_23 = arith.maximumf %add3A_21, %max3A_22 : vector<400x64xf32>
    %get3A_24 = arith.constant 0 : index
    %get3A_25 = arith.constant 0 : index
    %get3A_26 = vector.load %arg5[%get3A_24, %get3A_25] : memref<1x64xf32, #tpu.memory_space<vmem>>, vector<1x64xf32>
    %mul3A_27 = vector.broadcast %get3A_26 : vector<1x64xf32> to vector<400x64xf32>
    %mul3A_28 = arith.mulf %max3A_23, %mul3A_27 : vector<400x64xf32>
    %reduce_sum3A = arith.constant dense<0.000000e+00> : vector<400xf32>
    %reduce_sum3A_29 = vector.multi_reduction <add>, %mul3A_28, %reduce_sum3A [1] : vector<400x64xf32> to vector<400xf32>
    %broadcast_in_dim3A = vector.shape_cast %reduce_sum3A_29 : vector<400xf32> to vector<400x1xf32>
    %get3A_30 = arith.constant 0 : index
    %get3A_31 = arith.constant 0 : index
    %get3A_32 = vector.load %arg6[%get3A_30, %get3A_31] : memref<1x1xf32, #tpu.memory_space<vmem>>, vector<1x1xf32>
    %add3A_33 = vector.broadcast %get3A_32 : vector<1x1xf32> to vector<400x1xf32>
    %add3A_34 = arith.addf %broadcast_in_dim3A, %add3A_33 : vector<400x1xf32>
    %swap3A = arith.constant 0 : index
    %swap3A_35 = arith.constant 0 : index
    %swap3A_36 = vector.load %arg7[%swap3A, %swap3A_35] : memref<400x1xf32, #tpu.memory_space<vmem>>, vector<400x1xf32>
    tpu.vector_store %arg7[%swap3A, %swap3A_35], %add3A_34 {strides = array<i32>} : memref<400x1xf32, #tpu.memory_space<vmem>>, vector<400x1xf32>,
    return
  }
  func.func @transform_0(%arg0: i32) -> (i32, i32, i32) {
    %c0_i32 = arith.constant 0 : i32
    %c0_i32_0 = arith.constant 0 : i32
    %c0_i32_1 = arith.constant 0 : i32
    return %c0_i32, %arg0, %c0_i32_0 : i32, i32, i32
  }
  func.func @transform_1(%arg0: i32) -> (i32, i32) {
    %c0_i32 = arith.constant 0 : i32
    %c0_i32_0 = arith.constant 0 : i32
    return %arg0, %c0_i32 : i32, i32
  }
  func.func @transform_2(%arg0: i32) -> (i32, i32) {
    %c0_i32 = arith.constant 0 : i32
    %c0_i32_0 = arith.constant 0 : i32
    return %arg0, %c0_i32 : i32, i32
  }
  func.func @transform_3(%arg0: i32) -> (i32, i32) {
    %c0_i32 = arith.constant 0 : i32
    %c0_i32_0 = arith.constant 0 : i32
    %c0_i32_1 = arith.constant 0 : i32
    return %c0_i32, %c0_i32_0 : i32, i32
  }
  func.func @transform_4(%arg0: i32) -> (i32, i32) {
    %c0_i32 = arith.constant 0 : i32
    %c0_i32_0 = arith.constant 0 : i32
    %c0_i32_1 = arith.constant 0 : i32
    return %c0_i32, %c0_i32_0 : i32, i32
  }
  func.func @transform_5(%arg0: i32) -> (i32, i32) {
    %c0_i32 = arith.constant 0 : i32
    %c0_i32_0 = arith.constant 0 : i32
    %c0_i32_1 = arith.constant 0 : i32
    return %c0_i32, %c0_i32_0 : i32, i32
  }
  func.func @transform_6(%arg0: i32) -> (i32, i32) {
    %c0_i32 = arith.constant 0 : i32
    %c0_i32_0 = arith.constant 0 : i32
    return %arg0, %c0_i32 : i32, i32
  }
}

</mosaic_0001>

<sc_bundles>
// kernel: kernel.12.cloned.1.call-start
scs
__scs_entry_jumppad:
0x0: {  	(pc) =	sbr.rel $0x88, $3  }
0x1: {  	(tag) =	ssettag $0x0;
	lr =	simm.s32 $0x1  }
0x2: {  	[smem:$0x3F99] =	sst lr;
	_ =	strace $0xD0000000  }
0x3: {  	_ = 	snop  }
0x4: {  	_ = 	snop  }
0x5: {  	_ = 	snop  }
0x6: {  	_ = 	snop  }
0x7: {  	_ = 	snop  }
__scs_overlays_trampoline_lowered:
0x8: {  	[smem:$0x3FA8] =	sst s0  }
0x9: {  	[smem:$0x3FA9] =	sst s1  }
0xa: {  	[smem:$0x3FAA] =	sst s2  }
0xb: {  	[smem:$0x3FAB] =	sst s3  }
0xc: {  	[smem:$0x3FAC] =	sst s4  }
0xd: {  	[smem:$0x3FAD] =	sst s5  }
0xe: {  	[smem:$0x3FAE] =	sst s6  }
0xf: {  	[smem:$0x3FAF] =	sst s7  }
0x10: {  	[smem:$0x3FB0] =	sst s8  }
0x11: {  	[smem:$0x3FB1] =	sst s9;
	s0 =	simm.s32 @!p0 $0x0  }
0x12: {  	s1 =	sld [smem:$0x3F97];
	s0 =	simm.s32 @p0 $0x1  }
0x13: {  	[smem:$0x3FB2] =	sst s0;
	s0 =	simm.s32 @!p1 $0x0  }
0x14: {  	s2 =	sld [smem:$0x3F96];
	s0 =	simm.s32 @p1 $0x1  }
0x15: {  	[smem:$0x3FB3] =	sst s0;
	s0 =	simm.s32 @!p2 $0x0  }
0x16: {  	s3 =	sld [smem:$0x3FDB];
	s0 =	simm.s32 @p2 $0x1  }
0x17: {  	s4 =	simm.s32 $0x1BF5;
	[smem:$0x3FB5] =	sst s0  }
0x18: {  	s0 =	sld [smem:$0x3F98];
	_ =	swait.ge [sflag:s4], $0x0  }
0x19: {  	s7 =	sld [smem:$0x3F99]  }
0x1a: {  	s8 =	sadd.s32 $0xFFFFE003, lr  }
0x1b: {  	s9 =	sadd.s32 $0xFFFFFEF7, lr;
	s5 =	simm.s32 $0xFFFFFFFF;
	p2 =	slt.u32 s8, $0xFFFFF086  }
0x1c: {  	p1 =	slt.u32 s9, $0xF7A;
	s5 =	simm.s32 @!p2 $0x0  }
0x1d: {  	s5 =	simm.s32 @p1 $0x1;
	p0 =	seq.s32 s7, s2  }
0x1e: {  	s7 =	smul.u32 @!p0 $0xF7A, s2;
	p2 =	seq.s32 @!p0 s5, $0x0  }
0x1f: {  	s9 =	smul.u32 $0xF7A, s1;
	s8 =	simm.s32 @!p0 $0x1BF5;
	p2 =	por !p2, p0  }
0x20: {  	[sflag:s8] =	ssyncset.s32 @!p0 $0xFFFFF086;
	s6 =	sadd.s32 @!p0 s3, s7;
	s7 =	simm.s32 @!p0 $0x108  }
0x21: {  	s3 =	sadd.s32 s3, s9;
	s6 =	sadd.s32 @!p0 $0x88, s6;
	s7 =	simm.s32 @p2 $0x1082  }
0x22: {  	[simem:s7], [sflag:s8] =	dma.local @!p0 [hbm:s6], $0xF7A  }
0x23: {  	s9 =	sor.u32 $0xD0000000, s2;
	s6 =	simm.s32 $0x108;
	_ =	swait.ge @!p0 [sflag:s8], $0x0  }
0x24: {  	s3 =	sadd.s32 $0x88, s3;
	s6 =	simm.s32 @!p1 $0x1082;
	[sflag:s4] =	ssyncset.s32 $0xFFFFF086  }
0x25: {  	[simem:s6], [sflag:s4] =	dma.local [hbm:s3], $0xF7A  }
0x26: {  	[smem:$0x3F99] =	sst s1;
	(tag) =	ssettag s2;
	_ =	strace s9  }
0x27: {  	s1 =	sld [smem:$0x3FA9]  }
0x28: {  	s2 =	sld [smem:$0x3FAA]  }
0x29: {  	s4 =	sld [smem:$0x3FAC]  }
0x2a: {  	p0 =	seq.s32 s5, $0x0;
	s5 =	sld [smem:$0x3FAD]  }
0x2b: {  	s6 =	sld [smem:$0x3FAE]  }
0x2c: {  	s7 =	sld [smem:$0x3FAF]  }
0x2d: {  	s3 =	simm.s32 $0x108;
	s8 =	sld [smem:$0x3FB0]  }
0x2e: {  	s3 =	simm.s32 @!p0 $0x1082;
	s9 =	sld [smem:$0x3FB1]  }
0x2f: {  	lr =	sadd.s32 s0, s3;
	s0 =	sld [smem:$0x3FA8]  }
0x30: {  	s3 =	sld [smem:$0x3FAB]  }
0x31: {  	[smem:$0x3FB4] =	sst s10  }
0x32: {  	s10 =	sld [smem:$0x3FB2];
	_ =	sdelay $0x3  }
0x33: {  	p0 =	seq.s32 s10, $0x1;
	s10 =	sld [smem:$0x3FB4];
	_ =	sdelay $0x3  }
0x34: {  	[smem:$0x3FB4] =	sst s10  }
0x35: {  	s10 =	sld [smem:$0x3FB3];
	_ =	sdelay $0x3  }
0x36: {  	p1 =	seq.s32 s10, $0x1;
	s10 =	sld [smem:$0x3FB4];
	_ =	sdelay $0x3  }
0x37: {  	[smem:$0x3FB4] =	sst s10  }
0x38: {  	s10 =	sld [smem:$0x3FB5]  }
0x39: {  	_ = 	snop;
	(pc) =	sbr.ind lr, $3  }
0x3a: {  	_ = 	snop  }
0x3b: {  	_ = 	snop  }
0x3c: {  	p2 =	seq.s32 s10, $0x1;
	s10 =	sld [smem:$0x3FB4]  }
0x3d: {  	_ =	shalt  }
0x3e: {  	_ =	shalt  }
0x3f: {  	_ =	shalt  }
0x40: {  	_ =	shalt  }
0x41: {  	_ =	shalt  }
0x42: {  	_ =	shalt  }
0x43: {  	_ =	shalt  }
0x44: {  	_ =	shalt  }
0x45: {  	_ =	shalt  }
0x46: {  	_ =	shalt  }
0x47: {  	_ =	shalt  }
0x48: {  	_ =	shalt  }
0x49: {  	_ =	shalt  }
0x4a: {  	_ =	shalt  }
0x4b: {  	_ =	shalt  }
0x4c: {  	_ =	shalt  }
0x4d: {  	_ =	shalt  }
0x4e: {  	_ =	shalt  }
0x4f: {  	_ =	shalt  }
0x50: {  	_ =	shalt  }
0x51: {  	_ =	shalt  }
0x52: {  	_ =	shalt  }
0x53: {  	_ =	shalt  }
0x54: {  	_ =	shalt  }
0x55: {  	_ =	shalt  }
0x56: {  	_ =	shalt  }
0x57: {  	_ =	shalt  }
0x58: {  	_ =	shalt  }
0x59: {  	_ =	shalt  }
0x5a: {  	_ =	shalt  }
0x5b: {  	_ =	shalt  }
0x5c: {  	_ =	shalt  }
0x5d: {  	_ =	shalt  }
0x5e: {  	_ =	shalt  }
0x5f: {  	_ =	shalt  }
0x60: {  	_ =	shalt  }
0x61: {  	_ =	shalt  }
0x62: {  	_ =	shalt  }
0x63: {  	_ =	shalt  }
0x64: {  	_ =	shalt  }
0x65: {  	_ =	shalt  }
0x66: {  	_ =	shalt  }
0x67: {  	_ =	shalt  }
0x68: {  	_ =	shalt  }
0x69: {  	_ =	shalt  }
0x6a: {  	_ =	shalt  }
0x6b: {  	_ =	shalt  }
0x6c: {  	_ =	shalt  }
0x6d: {  	_ =	shalt  }
0x6e: {  	_ =	shalt  }
0x6f: {  	_ =	shalt  }
0x70: {  	_ =	shalt  }
0x71: {  	_ =	shalt  }
0x72: {  	_ =	shalt  }
0x73: {  	_ =	shalt  }
0x74: {  	_ =	shalt  }
0x75: {  	_ =	shalt  }
0x76: {  	_ =	shalt  }
0x77: {  	_ =	shalt  }
0x78: {  	_ =	shalt  }
0x79: {  	_ =	shalt  }
0x7a: {  	_ =	shalt  }
0x7b: {  	_ =	shalt  }
0x7c: {  	_ =	shalt  }
0x7d: {  	_ =	shalt  }
0x7e: {  	_ =	shalt  }
0x7f: {  	_ =	shalt  }
0x80: {  	_ =	shalt  }
0x81: {  	_ =	shalt  }
0x82: {  	_ =	shalt  }
0x83: {  	_ =	shalt  }
0x84: {  	_ =	shalt  }
0x85: {  	_ =	shalt  }
0x86: {  	_ =	shalt  }
0x87: {  	_ =	shalt  }
.Lfunc_end0:
.L_simem_size_0:
called_computation.1_lowered:
.L_overlay_start_0:
0x88: {  	s2 =	sld [smem:$0x3FD9]  }
0x89: {  	s3 =	sld [smem:$0x3FFE];
	_ =	sdelay $0x1  }
0x8a: {  	s1 =	srdreg.scid  }
0x8b: {  	s0 =	sand.u32 $0x1, s1  }
0x8c: {  	s16 =	sshll.u32 s0, $0xA;
	s2 =	sadd.s32 s3, s2  }
0x8d: {  	s2 =	sadd.s32 s2, s16  }
0x8e: {  	[smem:$0x3FC0] =	sst s2  }
0x8f: {  	_ = 	snop  }
0x90: {  	(tm) =	ssettm $0x1  }
0x91: {  	s17 =	sld [smem:$0x3FFB];
	_ =	sdelay $0x3  }
0x92: {  	_ =	strace s17  }
0x93: {  	s2 =	sld [smem:$0x3FFC];
	_ =	sdelay $0x3  }
0x94: {  	_ =	strace s2  }
0x95: {  	s2 =	sld [smem:$0x3FFD];
	_ =	sdelay $0x3  }
0x96: {  	_ =	strace s2  }
0x97: {  	_ =	strace $0x8FFFFFFF  }
0x98: {  	s18 =	sld [smem:$0x3FDB];
	_ =	sdelay $0x1  }
0x99: {  	s19 =	simm.s32 $_scs_section_size  }
0x9a: {  	s4 =	simm.s32 $_size__tile_overlayer_lowered;
	s5 =	simm.s32 $_tile_overlayer_lowered  }
0x9b: {  	s22 =	simm.s32 $0x1BFF;
	s21 =	sshll.u32 s5, $0x1;
	s2 =	sadd.s32 s19, s18  }
0x9c: {  	s6 =	simm.s32 $0x0;
	s20 =	sshll.u32 s4, $0x1;
	s4 =	sadd.s32 s21, s2  }
0x9d: {  	[timem:s6], [sflag:s22] =	dma.local [hbm:s4], s20  }
0x9e: {  	_ =	swait.ge [sflag:s22], s20  }
0x9f: {  	s3 =	ssub.s32 $0x0, s20;
	[sflag:s22] =	ssyncset.done $0x0  }
0xa0: {  	[sflag:s22] =	ssyncadd.s32 s3;
	_ =	sdelay $0x1  }
0xa1: {  	s23 =	simm.s32 $0x1B8B  }
0xa2: {  	_ =	swait.ge [sflag:s23], $0x1  }
0xa3: {  	[sflag:s23] =	ssyncset.done $0x0  }
0xa4: {  	s25 =	simm.s32 $0x1B8E;
	s24 =	sld [smem:$0x3FFE];
	[sflag:s23] =	ssyncadd.s32 $0xFFFFFFFF  }
0xa5: {  	s26 =	simm.s32 $execute0_lowered;
	[smem:$0x3FD2] =	sst s25  }
0xa6: {  	s4 =	sshll.u32 s26, $0x1;
	_ =	strace $0x80000049;
	[dreg:$0x1] =	wrdreg $0xFFFFFFFF  }
0xa7: {  	s28 =	simm.s32 $_size_execute0_lowered;
	s2 =	sadd.s32 s2, s4;
	[dreg:$0x0] =	wrdreg $0x0  }
0xa8: {  	s4 =	sshll.u32 s28, $0x1;
	[dreg:$0x2] =	wrdreg s2  }
0xa9: {  	[dreg:$0x3] =	wrdreg s4  }
0xaa: {  	[dreg:$0x4] =	wrdreg $0xC0  }
0xab: {  	_ =	task [dreg:s6], $0x5FFFF  }
0xac: {  	[dreg:$0x1] =	wrdreg $0xFFFFFFFF  }
0xad: {  	[dreg:$0x0] =	wrdreg $0x60  }
0xae: {  	[dreg:$0x2] =	wrdreg s24  }
0xaf: {  	[dreg:$0x3] =	wrdreg $0x50000  }
0xb0: {  	[dreg:$0x4] =	wrdreg $0x9  }
0xb1: {  	_ =	task.clear_ibuf [dreg:s6], $0x5FFFF;
	_ =	strace $0x90000049  }
0xb2: {  	s29 =	simm.s32 $0x9;
	_ =	strace $0x8000004B  }
0xb3: {  	_ =	swait.ge [sflag:s29], $0x1  }
0xb4: {  	[sflag:s29] =	ssyncadd.s32 $0xFFFFFFFF  }
0xb5: {  	_ =	strace $0x9000004B  }
0xb6: {  	_ =	sfence  }
0xb7: {  	s30 =	sld [smem:$0x0];
	_ =	sdelay $0x2  }
0xb8: {  	s31 =	sshll.u32 s1, $0xD;
	s1 =	sshrl.u32 s1, $0x2  }
0xb9: {  	s3 =	sand.u32 $0x4000, s31;
	s1 =	sadd.s32 s1, s30  }
0xba: {  	s0 =	sor.u32 s3, s0;
	s1 =	sshll.u32 s1, $0x11  }
0xbb: {  	s0 =	sor.u32 s1, s0  }
0xbc: {  	s0 =	sadd.s32 $0x8F2B, s0  }
0xbd: {  	[sflag:s0] =	ssyncadd.remote.s32 $0x1  }
0xbe: {  	_ =	sfence.sel $0xFFFF  }
0xbf: {  	[dreg:$0x0] =	wrdreg $0xFFFFFFFF;
	(pc) =	sbr.abs _section_cstart, $3  }
0xc0: {  	[dreg:$0x1] =	wrdreg $0xFFFFFFFF  }
0xc1: {  	_ =	task.clear_ibuf [dreg:s6], $0x2FFFF;
	_ =	strace $0x9FFFFFFF  }
0xc2: {  	(tm) =	ssettm $0x7FFFFFFF  }
0xc3: {  	_ =	shalt  }
tec
execute0_lowered:
.L_overlay_start_1:
0x0: {  	(tag) =	ssettag $0x1  }
0x1: {  	s0 =	rddreg [dreg:$0x0]  }
0x2: {  	s1 =	rddreg [dreg:$0x1]  }
0x3: {  	s4 =	stileid.u32;
	s2 =	srdreg.scid  }
0x4: {  	s11 =	simm.s32 $0x100;
	s5 =	sand.u32 $0x1, s2;
	s2 =	simm.s32 $0x0  }
0x5: {  	s12 =	simm.s32 $0x880;
	s8 =	sadd.s32 $0x33800, s0;
	[smem:$0x7FF] =	sst s2  }
0x6: {  	s13 =	simm.s32 $0x180;
	_ =	strace $0x8000004A;
	[dreg:$0x11] =	wrdreg s8  }
0x7: {  	s14 =	simm.s32 $0x900;
	s16 =	simm.s32 $0x200;
	[dreg:$0x3] =	wrdreg s11  }
0x8: {  	s18 =	simm.s32 $0x980;
	s19 =	simm.s32 $0x280;
	[dreg:$0x4] =	wrdreg s12  }
0x9: {  	s20 =	simm.s32 $0xA00;
	s21 =	simm.s32 $0x300;
	[dreg:$0x5] =	wrdreg s13  }
0xa: {  	s22 =	simm.s32 $0xA80;
	s23 =	simm.s32 $0x380;
	[dreg:$0x6] =	wrdreg s14  }
0xb: {  	s24 =	simm.s32 $0xB00;
	s25 =	simm.s32 $0x400;
	[dreg:$0x7] =	wrdreg s16  }
0xc: {  	s26 =	simm.s32 $0xB80;
	s28 =	simm.s32 $0xE00;
	[dreg:$0x8] =	wrdreg s18  }
0xd: {  	s29 =	simm.s32 $0x700;
	s30 =	simm.s32 $0xE80;
	[dreg:$0x9] =	wrdreg s19  }
0xe: {  	s31 =	simm.s32 $0x780;
	s3 =	smul.u32 $0x30, s4;
	[dreg:$0xa] =	wrdreg s20  }
0xf: {  	s6 =	smul.u32 $0x70, s4;
	p0 =	seq.s32 s5, $0x0;
	[dreg:$0xb] =	wrdreg s21  }
0x10: {  	s7 =	smul.u32 $0x14500, s5;
	s5 =	ssub.s32 $0x2, s5;
	[dreg:$0xc] =	wrdreg s22  }
0x11: {  	s3 =	sadd.s32 $0x700, s3;
	s10 =	sshrl.u32 s5, $0x1;
	[dreg:$0xd] =	wrdreg s23  }
0x12: {  	s8 =	simm.s32 $0x7;
	s11 =	simm.s32 $0x3;
	[dreg:$0xe] =	wrdreg s24  }
0x13: {  	s12 =	simm.s32 $0x800;
	s13 =	simm.s32 $0x80;
	[dreg:$0xf] =	wrdreg s25  }
0x14: {  	s14 =	simm.s32 $0x1000;
	s16 =	simm.s32 $0x3000;
	[dreg:$0x10] =	wrdreg s26  }
0x15: {  	s18 =	simm.s32 $0x480;
	s19 =	simm.s32 $0xC00;
	s20 =	simm.s32 $0x500  }
0x16: {  	s21 =	simm.s32 $0xC80;
	s22 =	simm.s32 $0x580;
	s23 =	simm.s32 $0xD00  }
0x17: {  	s3 =	smov.u32 @p0 s6;
	s5 =	ssub.s32 s5, s10;
	s8 =	simm.s32 @!p0 $0x3  }
0x18: {  	p0 =	sne.s32 s4, $0x0;
	s6 =	sshll.u32 s3, $0x4;
	s3 =	sadd.s32 $0x1FE00, s0  }
0x19: {  	[dreg:$0x12] =	wrdreg s8;
	s5 =	smax.u32 s5, $0x1;
	s6 =	sadd.s32 s6, s0  }
0x1a: {  	s0 =	sadd.s32 s7, s0;
	[dreg:$0x14] =	wrdreg s5;
	s7 =	sshrl.u32 @!p0 s1, $0x3  }
0x1b: {  	s24 =	simm.s32 $0x600;
	s0 =	sadd.s32 $0x47E00, s0;
	[dreg:$0x17] =	wrdreg s7  }
0x1c: {  	s25 =	simm.s32 $0xD80;
	s15 =	sadd.s32 $0x15E00, s6;
	[dreg:$0x13] =	wrdreg s0  }
0x1d: {  	s26 =	simm.s32 $0x680;
	s17 =	sadd.s32 $0xBE00, s6;
	[dreg:$0x15] =	wrdreg s15  }
0x1e: {  	s4 =	simm.s32 $0xF80;
	s6 =	simm.s32 $0x0;
	[dreg:$0x16] =	wrdreg s17  }
0x1f: {  	s15 =	simm.s32 $0x1;
	s17 =	simm.s32 $0x2;
	s0 =	simm.s32 $0xF00  }
.LBB2_1:
0x20: {  	s8 =	simm.s32 @!p0 $0x1C03;
	s5 =	rddreg [dreg:$0x11]  }
0x21: {  	[spmem:s7], [sflag:s8] =	dma.local @!p0 [hbm:s5], $0x14500  }
0x22: {  	s5 =	simm.s32 @!p0 $0x3  }
0x23: {  	_ =	swait.ge @!p0 [sflag:s5], $0x14500  }
0x24: {  	[sflag:s5] =	ssyncset.done @!p0 $0x0  }
0x25: {  	[sflag:s5] =	ssyncadd.s32 @!p0 $0xFFFEBB00  }
0x26: {  	[bflag:$0x0] =	sbarrier.arrive $0xFFFF  }
0x27: {  	s9 =	rddreg [dreg:$0x16]  }
0x28: {  	[tilespmem:s2], [sflag:$0x3] =	stream.linear.gather [hbm4b:s9+s2], $0x800, $0x38;
	[tilespmem:$0xF280] =	vst v63  }
0x29: {  	_ =	swait.ge [sflag:s11], $0x800  }
0x2a: {  	[sflag:s11] =	ssyncset.done $0x0  }
0x2b: {  	s7 =	rddreg [dreg:$0x15];
	[sflag:s11] =	ssyncadd.s32 $0xFFFFF800  }
0x2c: {  	[tilespmem:s12], [sflag:$0x3] =	stream.linear.gather [hbm4b:s7+s2], $0x800, $0x38;
	[tilespmem:$0xF280] =	vst v63  }
0x2d: {  	_ =	swait.ge [sflag:s11], $0x800  }
0x2e: {  	[sflag:s11] =	ssyncset.done $0x0  }
0x2f: {  	[sflag:s11] =	ssyncadd.s32 $0xFFFFF800  }
0x30: {  	[tilespmem:s14], [sflag:$0x1] =	stream.indirect.gather [hbm4b:s3+s13], $0x40, s2, s13, $0xb8;
	[tilespmem:$0xF280] =	vst v63  }
0x31: {  	_ =	swait.ge [sflag:s15], $0x2000  }
0x32: {  	[sflag:s15] =	ssyncset.done $0x0  }
0x33: {  	[sflag:s15] =	ssyncadd.s32 $0xFFFFE000  }
0x34: {  	[tilespmem:s16], [sflag:$0x2] =	stream.indirect.gather [hbm4b:s3+s13], $0x40, s13, s13, $0xb8;
	[tilespmem:$0xF280] =	vst v63  }
0x35: {  	_ = 	snop  }
0x36: {  	[spmem:s1] =	stream.indirect.scatter.add.f32 [tilespmem:s14], [sflag:$0x3], $0x40, s12, s13, $0xb8;
	[tilespmem:$0xF280] =	vst v63  }
0x37: {  	_ =	swait.ge [sflag:s11], $0x2000  }
0x38: {  	[sflag:s11] =	ssyncset.done $0x0  }
0x39: {  	[sflag:s11] =	ssyncadd.s32 $0xFFFFE000  }
0x3a: {  	_ =	swait.ge [sflag:s17], $0x2000  }
0x3b: {  	[sflag:s17] =	ssyncset.done $0x0  }
0x3c: {  	s8 =	rddreg [dreg:$0x3];
	[sflag:s17] =	ssyncadd.s32 $0xFFFFE000  }
0x3d: {  	[tilespmem:s14], [sflag:$0x1] =	stream.indirect.gather [hbm4b:s3+s13], $0x40, s8, s13, $0xb8;
	[tilespmem:$0xF280] =	vst v63  }
0x3e: {  	s10 =	rddreg [dreg:$0x4]  }
0x3f: {  	[spmem:s1] =	stream.indirect.scatter.add.f32 [tilespmem:s16], [sflag:$0x3], $0x40, s10, s13, $0xb8;
	[tilespmem:$0xF280] =	vst v63  }
0x40: {  	_ =	swait.ge [sflag:s11], $0x2000  }
0x41: {  	[sflag:s11] =	ssyncset.done $0x0  }
0x42: {  	[sflag:s11] =	ssyncadd.s32 $0xFFFFE000  }
0x43: {  	_ =	swait.ge [sflag:s15], $0x2000  }
0x44: {  	[sflag:s15] =	ssyncset.done $0x0  }
0x45: {  	s8 =	rddreg [dreg:$0x5];
	[sflag:s15] =	ssyncadd.s32 $0xFFFFE000  }
0x46: {  	[tilespmem:s16], [sflag:$0x2] =	stream.indirect.gather [hbm4b:s3+s13], $0x40, s8, s13, $0xb8;
	[tilespmem:$0xF280] =	vst v63  }
0x47: {  	s10 =	rddreg [dreg:$0x6]  }
0x48: {  	[spmem:s1] =	stream.indirect.scatter.add.f32 [tilespmem:s14], [sflag:$0x3], $0x40, s10, s13, $0xb8;
	[tilespmem:$0xF280] =	vst v63  }
0x49: {  	_ =	swait.ge [sflag:s11], $0x2000  }
0x4a: {  	[sflag:s11] =	ssyncset.done $0x0  }
0x4b: {  	[sflag:s11] =	ssyncadd.s32 $0xFFFFE000  }
0x4c: {  	_ =	swait.ge [sflag:s17], $0x2000  }
0x4d: {  	[sflag:s17] =	ssyncset.done $0x0  }
0x4e: {  	s8 =	rddreg [dreg:$0x7];
	[sflag:s17] =	ssyncadd.s32 $0xFFFFE000  }
0x4f: {  	[tilespmem:s14], [sflag:$0x1] =	stream.indirect.gather [hbm4b:s3+s13], $0x40, s8, s13, $0xb8;
	[tilespmem:$0xF280] =	vst v63  }
0x50: {  	s10 =	rddreg [dreg:$0x8]  }
0x51: {  	[spmem:s1] =	stream.indirect.scatter.add.f32 [tilespmem:s16], [sflag:$0x3], $0x40, s10, s13, $0xb8;
	[tilespmem:$0xF280] =	vst v63  }
0x52: {  	_ =	swait.ge [sflag:s11], $0x2000  }
0x53: {  	[sflag:s11] =	ssyncset.done $0x0  }
0x54: {  	[sflag:s11] =	ssyncadd.s32 $0xFFFFE000  }
0x55: {  	_ =	swait.ge [sflag:s15], $0x2000  }
0x56: {  	[sflag:s15] =	ssyncset.done $0x0  }
0x57: {  	s8 =	rddreg [dreg:$0x9];
	[sflag:s15] =	ssyncadd.s32 $0xFFFFE000  }
0x58: {  	[tilespmem:s16], [sflag:$0x2] =	stream.indirect.gather [hbm4b:s3+s13], $0x40, s8, s13, $0xb8;
	[tilespmem:$0xF280] =	vst v63  }
0x59: {  	s10 =	rddreg [dreg:$0xa]  }
0x5a: {  	[spmem:s1] =	stream.indirect.scatter.add.f32 [tilespmem:s14], [sflag:$0x3], $0x40, s10, s13, $0xb8;
	[tilespmem:$0xF280] =	vst v63  }
0x5b: {  	_ =	swait.ge [sflag:s11], $0x2000  }
0x5c: {  	[sflag:s11] =	ssyncset.done $0x0  }
0x5d: {  	[sflag:s11] =	ssyncadd.s32 $0xFFFFE000  }
0x5e: {  	_ =	swait.ge [sflag:s17], $0x2000  }
0x5f: {  	[sflag:s17] =	ssyncset.done $0x0  }
0x60: {  	s8 =	rddreg [dreg:$0xb];
	[sflag:s17] =	ssyncadd.s32 $0xFFFFE000  }
0x61: {  	[tilespmem:s14], [sflag:$0x1] =	stream.indirect.gather [hbm4b:s3+s13], $0x40, s8, s13, $0xb8;
	[tilespmem:$0xF280] =	vst v63  }
0x62: {  	s10 =	rddreg [dreg:$0xc]  }
0x63: {  	[spmem:s1] =	stream.indirect.scatter.add.f32 [tilespmem:s16], [sflag:$0x3], $0x40, s10, s13, $0xb8;
	[tilespmem:$0xF280] =	vst v63  }
0x64: {  	_ =	swait.ge [sflag:s11], $0x2000  }
0x65: {  	[sflag:s11] =	ssyncset.done $0x0  }
0x66: {  	[sflag:s11] =	ssyncadd.s32 $0xFFFFE000  }
0x67: {  	_ =	swait.ge [sflag:s15], $0x2000  }
0x68: {  	[sflag:s15] =	ssyncset.done $0x0  }
0x69: {  	s8 =	rddreg [dreg:$0xd];
	[sflag:s15] =	ssyncadd.s32 $0xFFFFE000  }
0x6a: {  	[tilespmem:s16], [sflag:$0x2] =	stream.indirect.gather [hbm4b:s3+s13], $0x40, s8, s13, $0xb8;
	[tilespmem:$0xF280] =	vst v63  }
0x6b: {  	s10 =	rddreg [dreg:$0xe]  }
0x6c: {  	[spmem:s1] =	stream.indirect.scatter.add.f32 [tilespmem:s14], [sflag:$0x3], $0x40, s10, s13, $0xb8;
	[tilespmem:$0xF280] =	vst v63  }
0x6d: {  	_ =	swait.ge [sflag:s11], $0x2000  }
0x6e: {  	[sflag:s11] =	ssyncset.done $0x0  }
0x6f: {  	[sflag:s11] =	ssyncadd.s32 $0xFFFFE000  }
0x70: {  	_ =	swait.ge [sflag:s17], $0x2000  }
0x71: {  	[sflag:s17] =	ssyncset.done $0x0  }
0x72: {  	s8 =	rddreg [dreg:$0xf];
	[sflag:s17] =	ssyncadd.s32 $0xFFFFE000  }
0x73: {  	[tilespmem:s14], [sflag:$0x1] =	stream.indirect.gather [hbm4b:s3+s13], $0x40, s8, s13, $0xb8;
	[tilespmem:$0xF280] =	vst v63  }
0x74: {  	s10 =	rddreg [dreg:$0x10]  }
0x75: {  	[spmem:s1] =	stream.indirect.scatter.add.f32 [tilespmem:s16], [sflag:$0x3], $0x40, s10, s13, $0xb8;
	[tilespmem:$0xF280] =	vst v63  }
0x76: {  	_ =	swait.ge [sflag:s11], $0x2000  }
0x77: {  	[sflag:s11] =	ssyncset.done $0x0  }
0x78: {  	[sflag:s11] =	ssyncadd.s32 $0xFFFFE000  }
0x79: {  	_ =	swait.ge [sflag:s15], $0x2000  }
0x7a: {  	[sflag:s15] =	ssyncset.done $0x0  }
0x7b: {  	[sflag:s15] =	ssyncadd.s32 $0xFFFFE000  }
0x7c: {  	[tilespmem:s16], [sflag:$0x2] =	stream.indirect.gather [hbm4b:s3+s13], $0x40, s18, s13, $0xb8;
	[tilespmem:$0xF280] =	vst v63  }
0x7d: {  	_ = 	snop  }
0x7e: {  	[spmem:s1] =	stream.indirect.scatter.add.f32 [tilespmem:s14], [sflag:$0x3], $0x40, s19, s13, $0xb8;
	[tilespmem:$0xF280] =	vst v63  }
0x7f: {  	_ =	swait.ge [sflag:s11], $0x2000  }
0x80: {  	[sflag:s11] =	ssyncset.done $0x0  }
0x81: {  	[sflag:s11] =	ssyncadd.s32 $0xFFFFE000  }
0x82: {  	_ =	swait.ge [sflag:s17], $0x2000  }
0x83: {  	[sflag:s17] =	ssyncset.done $0x0  }
0x84: {  	[sflag:s17] =	ssyncadd.s32 $0xFFFFE000  }
0x85: {  	[tilespmem:s14], [sflag:$0x1] =	stream.indirect.gather [hbm4b:s3+s13], $0x40, s20, s13, $0xb8;
	[tilespmem:$0xF280] =	vst v63  }
0x86: {  	_ = 	snop  }
0x87: {  	[spmem:s1] =	stream.indirect.scatter.add.f32 [tilespmem:s16], [sflag:$0x3], $0x40, s21, s13, $0xb8;
	[tilespmem:$0xF280] =	vst v63  }
0x88: {  	_ =	swait.ge [sflag:s11], $0x2000  }
0x89: {  	[sflag:s11] =	ssyncset.done $0x0  }
0x8a: {  	[sflag:s11] =	ssyncadd.s32 $0xFFFFE000  }
0x8b: {  	_ =	swait.ge [sflag:s15], $0x2000  }
0x8c: {  	[sflag:s15] =	ssyncset.done $0x0  }
0x8d: {  	[sflag:s15] =	ssyncadd.s32 $0xFFFFE000  }
0x8e: {  	[tilespmem:s16], [sflag:$0x2] =	stream.indirect.gather [hbm4b:s3+s13], $0x40, s22, s13, $0xb8;
	[tilespmem:$0xF280] =	vst v63  }
0x8f: {  	_ = 	snop  }
0x90: {  	[spmem:s1] =	stream.indirect.scatter.add.f32 [tilespmem:s14], [sflag:$0x3], $0x40, s23, s13, $0xb8;
	[tilespmem:$0xF280] =	vst v63  }
0x91: {  	_ =	swait.ge [sflag:s11], $0x2000  }
0x92: {  	[sflag:s11] =	ssyncset.done $0x0  }
0x93: {  	[sflag:s11] =	ssyncadd.s32 $0xFFFFE000  }
0x94: {  	_ =	swait.ge [sflag:s17], $0x2000  }
0x95: {  	[sflag:s17] =	ssyncset.done $0x0  }
0x96: {  	[sflag:s17] =	ssyncadd.s32 $0xFFFFE000  }
0x97: {  	[tilespmem:s14], [sflag:$0x1] =	stream.indirect.gather [hbm4b:s3+s13], $0x40, s24, s13, $0xb8;
	[tilespmem:$0xF280] =	vst v63  }
0x98: {  	_ = 	snop  }
0x99: {  	[spmem:s1] =	stream.indirect.scatter.add.f32 [tilespmem:s16], [sflag:$0x3], $0x40, s25, s13, $0xb8;
	[tilespmem:$0xF280] =	vst v63  }
0x9a: {  	_ =	swait.ge [sflag:s11], $0x2000  }
0x9b: {  	[sflag:s11] =	ssyncset.done $0x0  }
0x9c: {  	[sflag:s11] =	ssyncadd.s32 $0xFFFFE000  }
0x9d: {  	_ =	swait.ge [sflag:s15], $0x2000  }
0x9e: {  	[sflag:s15] =	ssyncset.done $0x0  }
0x9f: {  	[sflag:s15] =	ssyncadd.s32 $0xFFFFE000  }
0xa0: {  	[tilespmem:s16], [sflag:$0x2] =	stream.indirect.gather [hbm4b:s3+s13], $0x40, s26, s13, $0xb8;
	[tilespmem:$0xF280] =	vst v63  }
0xa1: {  	_ = 	snop  }
0xa2: {  	[spmem:s1] =	stream.indirect.scatter.add.f32 [tilespmem:s14], [sflag:$0x3], $0x40, s28, s13, $0xb8;
	[tilespmem:$0xF280] =	vst v63  }
0xa3: {  	_ =	swait.ge [sflag:s11], $0x2000  }
0xa4: {  	[sflag:s11] =	ssyncset.done $0x0  }
0xa5: {  	[sflag:s11] =	ssyncadd.s32 $0xFFFFE000  }
0xa6: {  	_ =	swait.ge [sflag:s17], $0x2000  }
0xa7: {  	[sflag:s17] =	ssyncset.done $0x0  }
0xa8: {  	[sflag:s17] =	ssyncadd.s32 $0xFFFFE000  }
0xa9: {  	[tilespmem:s14], [sflag:$0x1] =	stream.indirect.gather [hbm4b:s3+s13], $0x40, s29, s13, $0xb8;
	[tilespmem:$0xF280] =	vst v63  }
0xaa: {  	_ = 	snop  }
0xab: {  	[spmem:s1] =	stream.indirect.scatter.add.f32 [tilespmem:s16], [sflag:$0x3], $0x40, s30, s13, $0xb8;
	[tilespmem:$0xF280] =	vst v63  }
0xac: {  	_ =	swait.ge [sflag:s11], $0x2000  }
0xad: {  	[sflag:s11] =	ssyncset.done $0x0  }
0xae: {  	[sflag:s11] =	ssyncadd.s32 $0xFFFFE000  }
0xaf: {  	_ =	swait.ge [sflag:s15], $0x2000  }
0xb0: {  	[sflag:s15] =	ssyncset.done $0x0  }
0xb1: {  	[sflag:s15] =	ssyncadd.s32 $0xFFFFE000  }
0xb2: {  	[tilespmem:s16], [sflag:$0x2] =	stream.indirect.gather [hbm4b:s3+s13], $0x40, s31, s13, $0xb8;
	[tilespmem:$0xF280] =	vst v63  }
0xb3: {  	_ = 	snop  }
0xb4: {  	[spmem:s1] =	stream.indirect.scatter.add.f32 [tilespmem:s14], [sflag:$0x3], $0x40, s0, s13, $0xb8;
	[tilespmem:$0xF280] =	vst v63  }
0xb5: {  	_ =	swait.ge [sflag:s11], $0x2000  }
0xb6: {  	[sflag:s11] =	ssyncset.done $0x0  }
0xb7: {  	[sflag:s11] =	ssyncadd.s32 $0xFFFFE000  }
0xb8: {  	_ =	swait.ge [sflag:s17], $0x2000  }
0xb9: {  	s10 =	rddreg [dreg:$0x12]  }
0xba: {  	p1 =	sne.s32 s10, $0x1  }
.Ltmp0:
0xbb: {  	[sflag:s17] =	ssyncset.done $0x0;
	(pc) =	sbr.rel @!p1 .LBB2_3-.Ltmp0, $4  }
0xbc: {  	[sflag:s17] =	ssyncadd.s32 $0xFFFFE000  }
0xbd: {  	[spmem:s1] =	stream.indirect.scatter.add.f32 [tilespmem:s16], [sflag:$0x3], $0x40, s4, s13, $0xb8;
	[tilespmem:$0xF280] =	vst v63  }
0xbe: {  	_ =	swait.ge [sflag:s11], $0x2000  }
0xbf: {  	s5 =	smov.u32 s7;
	s8 =	sadd.s32 $0xFFFFFFFF, s10;
	[sflag:s11] =	ssyncset.done $0x0  }
.LBB2_2:
0xc0: {  	[sflag:s11] =	ssyncadd.s32 $0xFFFFE000;
	s9 =	sadd.s32 $0x100, s9  }
0xc1: {  	[tilespmem:s2], [sflag:$0x3] =	stream.linear.gather [hbm4b:s9+s2], $0x800, $0x38;
	[tilespmem:$0xF280] =	vst v63  }
0xc2: {  	_ =	swait.ge [sflag:s11], $0x800  }
0xc3: {  	[sflag:s11] =	ssyncset.done $0x0  }
0xc4: {  	s5 =	sadd.s32 $0x100, s5;
	[sflag:s11] =	ssyncadd.s32 $0xFFFFF800  }
0xc5: {  	[tilespmem:s12], [sflag:$0x3] =	stream.linear.gather [hbm4b:s5+s2], $0x800, $0x38;
	[tilespmem:$0xF280] =	vst v63  }
0xc6: {  	_ =	swait.ge [sflag:s11], $0x800  }
0xc7: {  	[sflag:s11] =	ssyncset.done $0x0  }
0xc8: {  	[sflag:s11] =	ssyncadd.s32 $0xFFFFF800  }
0xc9: {  	[tilespmem:s14], [sflag:$0x1] =	stream.indirect.gather [hbm4b:s3+s13], $0x40, s2, s13, $0xb8;
	[tilespmem:$0xF280] =	vst v63  }
0xca: {  	_ =	swait.ge [sflag:s15], $0x2000  }
0xcb: {  	[sflag:s15] =	ssyncset.done $0x0  }
0xcc: {  	[sflag:s15] =	ssyncadd.s32 $0xFFFFE000  }
0xcd: {  	[tilespmem:s16], [sflag:$0x2] =	stream.indirect.gather [hbm4b:s3+s13], $0x40, s13, s13, $0xb8;
	[tilespmem:$0xF280] =	vst v63  }
0xce: {  	_ = 	snop  }
0xcf: {  	[spmem:s1] =	stream.indirect.scatter.add.f32 [tilespmem:s14], [sflag:$0x3], $0x40, s12, s13, $0xb8;
	[tilespmem:$0xF280] =	vst v63  }
0xd0: {  	_ =	swait.ge [sflag:s11], $0x2000  }
0xd1: {  	[sflag:s11] =	ssyncset.done $0x0  }
0xd2: {  	[sflag:s11] =	ssyncadd.s32 $0xFFFFE000  }
0xd3: {  	_ =	swait.ge [sflag:s17], $0x2000  }
0xd4: {  	[sflag:s17] =	ssyncset.done $0x0  }
0xd5: {  	s10 =	rddreg [dreg:$0x3];
	[sflag:s17] =	ssyncadd.s32 $0xFFFFE000  }
0xd6: {  	[tilespmem:s14], [sflag:$0x1] =	stream.indirect.gather [hbm4b:s3+s13], $0x40, s10, s13, $0xb8;
	[tilespmem:$0xF280] =	vst v63  }
0xd7: {  	s7 =	rddreg [dreg:$0x4]  }
0xd8: {  	[spmem:s1] =	stream.indirect.scatter.add.f32 [tilespmem:s16], [sflag:$0x3], $0x40, s7, s13, $0xb8;
	[tilespmem:$0xF280] =	vst v63  }
0xd9: {  	_ =	swait.ge [sflag:s11], $0x2000  }
0xda: {  	[sflag:s11] =	ssyncset.done $0x0  }
0xdb: {  	[sflag:s11] =	ssyncadd.s32 $0xFFFFE000  }
0xdc: {  	_ =	swait.ge [sflag:s15], $0x2000  }
0xdd: {  	[sflag:s15] =	ssyncset.done $0x0  }
0xde: {  	s7 =	rddreg [dreg:$0x5];
	[sflag:s15] =	ssyncadd.s32 $0xFFFFE000  }
0xdf: {  	[tilespmem:s16], [sflag:$0x2] =	stream.indirect.gather [hbm4b:s3+s13], $0x40, s7, s13, $0xb8;
	[tilespmem:$0xF280] =	vst v63  }
0xe0: {  	s10 =	rddreg [dreg:$0x6]  }
0xe1: {  	[spmem:s1] =	stream.indirect.scatter.add.f32 [tilespmem:s14], [sflag:$0x3], $0x40, s10, s13, $0xb8;
	[tilespmem:$0xF280] =	vst v63  }
0xe2: {  	_ =	swait.ge [sflag:s11], $0x2000  }
0xe3: {  	[sflag:s11] =	ssyncset.done $0x0  }
0xe4: {  	[sflag:s11] =	ssyncadd.s32 $0xFFFFE000  }
0xe5: {  	_ =	swait.ge [sflag:s17], $0x2000  }
0xe6: {  	[sflag:s17] =	ssyncset.done $0x0  }
0xe7: {  	s7 =	rddreg [dreg:$0x7];
	[sflag:s17] =	ssyncadd.s32 $0xFFFFE000  }
0xe8: {  	[tilespmem:s14], [sflag:$0x1] =	stream.indirect.gather [hbm4b:s3+s13], $0x40, s7, s13, $0xb8;
	[tilespmem:$0xF280] =	vst v63  }
0xe9: {  	s10 =	rddreg [dreg:$0x8]  }
0xea: {  	[spmem:s1] =	stream.indirect.scatter.add.f32 [tilespmem:s16], [sflag:$0x3], $0x40, s10, s13, $0xb8;
	[tilespmem:$0xF280] =	vst v63  }
0xeb: {  	_ =	swait.ge [sflag:s11], $0x2000  }
0xec: {  	[sflag:s11] =	ssyncset.done $0x0  }
0xed: {  	[sflag:s11] =	ssyncadd.s32 $0xFFFFE000  }
0xee: {  	_ =	swait.ge [sflag:s15], $0x2000  }
0xef: {  	[sflag:s15] =	ssyncset.done $0x0  }
0xf0: {  	s7 =	rddreg [dreg:$0x9];
	[sflag:s15] =	ssyncadd.s32 $0xFFFFE000  }
0xf1: {  	[tilespmem:s16], [sflag:$0x2] =	stream.indirect.gather [hbm4b:s3+s13], $0x40, s7, s13, $0xb8;
	[tilespmem:$0xF280] =	vst v63  }
0xf2: {  	s10 =	rddreg [dreg:$0xa]  }
0xf3: {  	[spmem:s1] =	stream.indirect.scatter.add.f32 [tilespmem:s14], [sflag:$0x3], $0x40, s10, s13, $0xb8;
	[tilespmem:$0xF280] =	vst v63  }
0xf4: {  	_ =	swait.ge [sflag:s11], $0x2000  }
0xf5: {  	[sflag:s11] =	ssyncset.done $0x0  }
0xf6: {  	[sflag:s11] =	ssyncadd.s32 $0xFFFFE000  }
0xf7: {  	_ =	swait.ge [sflag:s17], $0x2000  }
0xf8: {  	[sflag:s17] =	ssyncset.done $0x0  }
0xf9: {  	s7 =	rddreg [dreg:$0xb];
	[sflag:s17] =	ssyncadd.s32 $0xFFFFE000  }
0xfa: {  	[tilespmem:s14], [sflag:$0x1] =	stream.indirect.gather [hbm4b:s3+s13], $0x40, s7, s13, $0xb8;
	[tilespmem:$0xF280] =	vst v63  }
0xfb: {  	s10 =	rddreg [dreg:$0xc]  }
0xfc: {  	[spmem:s1] =	stream.indirect.scatter.add.f32 [tilespmem:s16], [sflag:$0x3], $0x40, s10, s13, $0xb8;
	[tilespmem:$0xF280] =	vst v63  }
0xfd: {  	_ =	swait.ge [sflag:s11], $0x2000  }
0xfe: {  	[sflag:s11] =	ssyncset.done $0x0  }
0xff: {  	[sflag:s11] =	ssyncadd.s32 $0xFFFFE000  }
0x100: {  	_ =	swait.ge [sflag:s15], $0x2000  }
0x101: {  	[sflag:s15] =	ssyncset.done $0x0  }
0x102: {  	s7 =	rddreg [dreg:$0xd];
	[sflag:s15] =	ssyncadd.s32 $0xFFFFE000  }
0x103: {  	[tilespmem:s16], [sflag:$0x2] =	stream.indirect.gather [hbm4b:s3+s13], $0x40, s7, s13, $0xb8;
	[tilespmem:$0xF280] =	vst v63  }
0x104: {  	s10 =	rddreg [dreg:$0xe]  }
0x105: {  	[spmem:s1] =	stream.indirect.scatter.add.f32 [tilespmem:s14], [sflag:$0x3], $0x40, s10, s13, $0xb8;
	[tilespmem:$0xF280] =	vst v63  }
0x106: {  	_ =	swait.ge [sflag:s11], $0x2000  }
0x107: {  	[sflag:s11] =	ssyncset.done $0x0  }
0x108: {  	[sflag:s11] =	ssyncadd.s32 $0xFFFFE000  }
0x109: {  	_ =	swait.ge [sflag:s17], $0x2000  }
0x10a: {  	[sflag:s17] =	ssyncset.done $0x0  }
0x10b: {  	s7 =	rddreg [dreg:$0xf];
	[sflag:s17] =	ssyncadd.s32 $0xFFFFE000  }
0x10c: {  	[tilespmem:s14], [sflag:$0x1] =	stream.indirect.gather [hbm4b:s3+s13], $0x40, s7, s13, $0xb8;
	[tilespmem:$0xF280] =	vst v63  }
0x10d: {  	s10 =	rddreg [dreg:$0x10]  }
0x10e: {  	[spmem:s1] =	stream.indirect.scatter.add.f32 [tilespmem:s16], [sflag:$0x3], $0x40, s10, s13, $0xb8;
	[tilespmem:$0xF280] =	vst v63  }
0x10f: {  	_ =	swait.ge [sflag:s11], $0x2000  }
0x110: {  	[sflag:s11] =	ssyncset.done $0x0  }
0x111: {  	[sflag:s11] =	ssyncadd.s32 $0xFFFFE000  }
0x112: {  	_ =	swait.ge [sflag:s15], $0x2000  }
0x113: {  	[sflag:s15] =	ssyncset.done $0x0  }
0x114: {  	[sflag:s15] =	ssyncadd.s32 $0xFFFFE000  }
0x115: {  	[tilespmem:s16], [sflag:$0x2] =	stream.indirect.gather [hbm4b:s3+s13], $0x40, s18, s13, $0xb8;
	[tilespmem:$0xF280] =	vst v63  }
0x116: {  	_ = 	snop  }
0x117: {  	[spmem:s1] =	stream.indirect.scatter.add.f32 [tilespmem:s14], [sflag:$0x3], $0x40, s19, s13, $0xb8;
	[tilespmem:$0xF280] =	vst v63  }
0x118: {  	_ =	swait.ge [sflag:s11], $0x2000  }
0x119: {  	[sflag:s11] =	ssyncset.done $0x0  }
0x11a: {  	[sflag:s11] =	ssyncadd.s32 $0xFFFFE000  }
0x11b: {  	_ =	swait.ge [sflag:s17], $0x2000  }
0x11c: {  	[sflag:s17] =	ssyncset.done $0x0  }
0x11d: {  	[sflag:s17] =	ssyncadd.s32 $0xFFFFE000  }
0x11e: {  	[tilespmem:s14], [sflag:$0x1] =	stream.indirect.gather [hbm4b:s3+s13], $0x40, s20, s13, $0xb8;
	[tilespmem:$0xF280] =	vst v63  }
0x11f: {  	_ = 	snop  }
0x120: {  	[spmem:s1] =	stream.indirect.scatter.add.f32 [tilespmem:s16], [sflag:$0x3], $0x40, s21, s13, $0xb8;
	[tilespmem:$0xF280] =	vst v63  }
0x121: {  	_ =	swait.ge [sflag:s11], $0x2000  }
0x122: {  	[sflag:s11] =	ssyncset.done $0x0  }
0x123: {  	[sflag:s11] =	ssyncadd.s32 $0xFFFFE000  }
0x124: {  	_ =	swait.ge [sflag:s15], $0x2000  }
0x125: {  	[sflag:s15] =	ssyncset.done $0x0  }
0x126: {  	[sflag:s15] =	ssyncadd.s32 $0xFFFFE000  }
0x127: {  	[tilespmem:s16], [sflag:$0x2] =	stream.indirect.gather [hbm4b:s3+s13], $0x40, s22, s13, $0xb8;
	[tilespmem:$0xF280] =	vst v63  }
0x128: {  	_ = 	snop  }
0x129: {  	[spmem:s1] =	stream.indirect.scatter.add.f32 [tilespmem:s14], [sflag:$0x3], $0x40, s23, s13, $0xb8;
	[tilespmem:$0xF280] =	vst v63  }
0x12a: {  	_ =	swait.ge [sflag:s11], $0x2000  }
0x12b: {  	[sflag:s11] =	ssyncset.done $0x0  }
0x12c: {  	[sflag:s11] =	ssyncadd.s32 $0xFFFFE000  }
0x12d: {  	_ =	swait.ge [sflag:s17], $0x2000  }
0x12e: {  	[sflag:s17] =	ssyncset.done $0x0  }
0x12f: {  	[sflag:s17] =	ssyncadd.s32 $0xFFFFE000  }
0x130: {  	[tilespmem:s14], [sflag:$0x1] =	stream.indirect.gather [hbm4b:s3+s13], $0x40, s24, s13, $0xb8;
	[tilespmem:$0xF280] =	vst v63  }
0x131: {  	_ = 	snop  }
0x132: {  	[spmem:s1] =	stream.indirect.scatter.add.f32 [tilespmem:s16], [sflag:$0x3], $0x40, s25, s13, $0xb8;
	[tilespmem:$0xF280] =	vst v63  }
0x133: {  	_ =	swait.ge [sflag:s11], $0x2000  }
0x134: {  	[sflag:s11] =	ssyncset.done $0x0  }
0x135: {  	[sflag:s11] =	ssyncadd.s32 $0xFFFFE000  }
0x136: {  	_ =	swait.ge [sflag:s15], $0x2000  }
0x137: {  	[sflag:s15] =	ssyncset.done $0x0  }
0x138: {  	[sflag:s15] =	ssyncadd.s32 $0xFFFFE000  }
0x139: {  	[tilespmem:s16], [sflag:$0x2] =	stream.indirect.gather [hbm4b:s3+s13], $0x40, s26, s13, $0xb8;
	[tilespmem:$0xF280] =	vst v63  }
0x13a: {  	_ = 	snop  }
0x13b: {  	[spmem:s1] =	stream.indirect.scatter.add.f32 [tilespmem:s14], [sflag:$0x3], $0x40, s28, s13, $0xb8;
	[tilespmem:$0xF280] =	vst v63  }
0x13c: {  	_ =	swait.ge [sflag:s11], $0x2000  }
0x13d: {  	[sflag:s11] =	ssyncset.done $0x0  }
0x13e: {  	[sflag:s11] =	ssyncadd.s32 $0xFFFFE000  }
0x13f: {  	_ =	swait.ge [sflag:s17], $0x2000  }
0x140: {  	[sflag:s17] =	ssyncset.done $0x0  }
0x141: {  	[sflag:s17] =	ssyncadd.s32 $0xFFFFE000  }
0x142: {  	[tilespmem:s14], [sflag:$0x1] =	stream.indirect.gather [hbm4b:s3+s13], $0x40, s29, s13, $0xb8;
	[tilespmem:$0xF280] =	vst v63  }
0x143: {  	_ = 	snop  }
0x144: {  	[spmem:s1] =	stream.indirect.scatter.add.f32 [tilespmem:s16], [sflag:$0x3], $0x40, s30, s13, $0xb8;
	[tilespmem:$0xF280] =	vst v63  }
0x145: {  	_ =	swait.ge [sflag:s11], $0x2000  }
0x146: {  	[sflag:s11] =	ssyncset.done $0x0  }
0x147: {  	[sflag:s11] =	ssyncadd.s32 $0xFFFFE000  }
0x148: {  	_ =	swait.ge [sflag:s15], $0x2000  }
0x149: {  	[sflag:s15] =	ssyncset.done $0x0  }
0x14a: {  	[sflag:s15] =	ssyncadd.s32 $0xFFFFE000  }
0x14b: {  	[tilespmem:s16], [sflag:$0x2] =	stream.indirect.gather [hbm4b:s3+s13], $0x40, s31, s13, $0xb8;
	[tilespmem:$0xF280] =	vst v63  }
0x14c: {  	_ = 	snop  }
0x14d: {  	[spmem:s1] =	stream.indirect.scatter.add.f32 [tilespmem:s14], [sflag:$0x3], $0x40, s0, s13, $0xb8;
	[tilespmem:$0xF280] =	vst v63  }
0x14e: {  	_ =	swait.ge [sflag:s11], $0x2000  }
0x14f: {  	[sflag:s11] =	ssyncset.done $0x0  }
0x150: {  	[sflag:s11] =	ssyncadd.s32 $0xFFFFE000  }
0x151: {  	p1 =	sne.s32 s8, $0x1;
	_ =	swait.ge [sflag:s17], $0x2000  }
.Ltmp1:
0x152: {  	[sflag:s17] =	ssyncset.done $0x0;
	(pc) =	sbr.rel @p1 .LBB2_2-.Ltmp1, $4  }
0x153: {  	[sflag:s17] =	ssyncadd.s32 $0xFFFFE000  }
0x154: {  	[spmem:s1] =	stream.indirect.scatter.add.f32 [tilespmem:s16], [sflag:$0x3], $0x40, s4, s13, $0xb8;
	[tilespmem:$0xF280] =	vst v63  }
0x155: {  	_ =	swait.ge [sflag:s11], $0x2000  }
0x156: {  	s8 =	sadd.s32 $0xFFFFFFFF, s8;
	[sflag:s11] =	ssyncset.done $0x0  }
.LBB2_3:
0x157: {  	[sflag:s11] =	ssyncadd.s32 $0xFFFFE000  }
0x158: {  	[bflag:$0x0] =	sbarrier.arrive $0xFFFF  }
0x159: {  	s5 =	rddreg [dreg:$0x13]  }
0x15a: {  	s8 =	simm.s32 @!p0 $0x1C03;
	s7 =	rddreg [dreg:$0x17]  }
0x15b: {  	[hbm:s5], [sflag:s8] =	dma.local @!p0 [spmem:s7], $0x14500  }
0x15c: {  	s8 =	simm.s32 @!p0 $0x3  }
0x15d: {  	_ =	swait.ge @!p0 [sflag:s8], $0x14500  }
0x15e: {  	s6 =	sadd.s32 $0x1, s6;
	s10 =	rddreg [dreg:$0x14]  }
0x15f: {  	p1 =	sne.s32 s6, s10  }
.Ltmp2:
0x160: {  	_ = 	snop;
	(pc) =	sbr.rel @p1 .LBB2_1-.Ltmp2, $3  }
0x161: {  	_ =	sdelay $0x1  }
0x162: {  	[sflag:s8] =	ssyncset.done @!p0 $0x0  }
0x163: {  	[sflag:s8] =	ssyncadd.s32 @!p0 $0xFFFEBB00  }
0x164: {  	_ =	sfence.sel $0x180000  }
0x165: {  	[bflag:$0x0] =	sbarrier.arrive $0xFFFF  }
0x166: {  	_ =	strace $0x9000004A  }
0x167: {  	[bflag:$0x2] =	sbarrier.arrive $0xFFFF  }
0x168: {  	s0 =	rddreg [dreg:$0x2]  }
0x169: {  	s0 =	sadd.s32 @!p0 $0x100000, s0  }
0x16a: {  	[sflag:s0] =	ssyncadd.tile.s32 @!p0 $0x1;
	_ =	shalt  }
.Lfunc_end2:
_tile_overlayer_lowered:
.L_overlay_start_2:
0x16b: {  	(tag) =	ssettag $0x2  }
0x16c: {  	s0 =	rddreg [dreg:$0x0];
	s2 =	stileid.u32  }
0x16d: {  	s1 =	rddreg [dreg:$0x1];
	p0 =	sne.s32 s2, $0x0  }
0x16e: {  	s3 =	rddreg [dreg:$0x2];
	[bflag:$0x3] =	sbarrier.arrive $0xFFFF;
	s2 =	simm.s32 @!p0 $0x1C03  }
0x16f: {  	[timem:s3], [sflag:s2] =	dma.local @!p0 [hbm:s0], s1  }
0x170: {  	s0 =	simm.s32 @!p0 $0x3  }
0x171: {  	_ =	swait.ge @!p0 [sflag:s0], s1  }
0x172: {  	s1 =	ssub.s32 @!p0 $0x0, s1;
	[sflag:s0] =	ssyncset.done @!p0 $0x0  }
0x173: {  	[sflag:s0] =	ssyncadd.s32 @!p0 s1  }
0x174: {  	[bflag:$0x3] =	sbarrier.arrive $0xFFFF  }
0x175: {  	_ =	shalt  }

// kernel: kernel.15.cloned.1.call-start
scs
__scs_entry_jumppad:
0x0: {  	(pc) =	sbr.rel $0x88, $3  }
0x1: {  	(tag) =	ssettag $0x0;
	lr =	simm.s32 $0x1  }
0x2: {  	[smem:$0x3F99] =	sst lr;
	_ =	strace $0xD0000000  }
0x3: {  	_ = 	snop  }
0x4: {  	_ = 	snop  }
0x5: {  	_ = 	snop  }
0x6: {  	_ = 	snop  }
0x7: {  	_ = 	snop  }
__scs_overlays_trampoline_lowered:
0x8: {  	[smem:$0x3FA8] =	sst s0  }
0x9: {  	[smem:$0x3FA9] =	sst s1  }
0xa: {  	[smem:$0x3FAA] =	sst s2  }
0xb: {  	[smem:$0x3FAB] =	sst s3  }
0xc: {  	[smem:$0x3FAC] =	sst s4  }
0xd: {  	[smem:$0x3FAD] =	sst s5  }
0xe: {  	[smem:$0x3FAE] =	sst s6  }
0xf: {  	[smem:$0x3FAF] =	sst s7  }
0x10: {  	[smem:$0x3FB0] =	sst s8  }
0x11: {  	[smem:$0x3FB1] =	sst s9;
	s0 =	simm.s32 @!p0 $0x0  }
0x12: {  	s1 =	sld [smem:$0x3F97];
	s0 =	simm.s32 @p0 $0x1  }
0x13: {  	[smem:$0x3FB2] =	sst s0;
	s0 =	simm.s32 @!p1 $0x0  }
0x14: {  	s2 =	sld [smem:$0x3F96];
	s0 =	simm.s32 @p1 $0x1  }
0x15: {  	[smem:$0x3FB3] =	sst s0;
	s0 =	simm.s32 @!p2 $0x0  }
0x16: {  	s3 =	sld [smem:$0x3FDB];
	s0 =	simm.s32 @p2 $0x1  }
0x17: {  	s4 =	simm.s32 $0x1BF5;
	[smem:$0x3FB5] =	sst s0  }
0x18: {  	s0 =	sld [smem:$0x3F98];
	_ =	swait.ge [sflag:s4], $0x0  }
0x19: {  	s7 =	sld [smem:$0x3F99]  }
0x1a: {  	s8 =	sadd.s32 $0xFFFFE003, lr  }
0x1b: {  	s9 =	sadd.s32 $0xFFFFFEF7, lr;
	s5 =	simm.s32 $0xFFFFFFFF;
	p2 =	slt.u32 s8, $0xFFFFF086  }
0x1c: {  	p1 =	slt.u32 s9, $0xF7A;
	s5 =	simm.s32 @!p2 $0x0  }
0x1d: {  	s5 =	simm.s32 @p1 $0x1;
	p0 =	seq.s32 s7, s2  }
0x1e: {  	s7 =	smul.u32 @!p0 $0xF7A, s2;
	p2 =	seq.s32 @!p0 s5, $0x0  }
0x1f: {  	s9 =	smul.u32 $0xF7A, s1;
	s8 =	simm.s32 @!p0 $0x1BF5;
	p2 =	por !p2, p0  }
0x20: {  	[sflag:s8] =	ssyncset.s32 @!p0 $0xFFFFF086;
	s6 =	sadd.s32 @!p0 s3, s7;
	s7 =	simm.s32 @!p0 $0x108  }
0x21: {  	s3 =	sadd.s32 s3, s9;
	s6 =	sadd.s32 @!p0 $0x88, s6;
	s7 =	simm.s32 @p2 $0x1082  }
0x22: {  	[simem:s7], [sflag:s8] =	dma.local @!p0 [hbm:s6], $0xF7A  }
0x23: {  	s9 =	sor.u32 $0xD0000000, s2;
	s6 =	simm.s32 $0x108;
	_ =	swait.ge @!p0 [sflag:s8], $0x0  }
0x24: {  	s3 =	sadd.s32 $0x88, s3;
	s6 =	simm.s32 @!p1 $0x1082;
	[sflag:s4] =	ssyncset.s32 $0xFFFFF086  }
0x25: {  	[simem:s6], [sflag:s4] =	dma.local [hbm:s3], $0xF7A  }
0x26: {  	[smem:$0x3F99] =	sst s1;
	(tag) =	ssettag s2;
	_ =	strace s9  }
0x27: {  	s1 =	sld [smem:$0x3FA9]  }
0x28: {  	s2 =	sld [smem:$0x3FAA]  }
0x29: {  	s4 =	sld [smem:$0x3FAC]  }
0x2a: {  	p0 =	seq.s32 s5, $0x0;
	s5 =	sld [smem:$0x3FAD]  }
0x2b: {  	s6 =	sld [smem:$0x3FAE]  }
0x2c: {  	s7 =	sld [smem:$0x3FAF]  }
0x2d: {  	s3 =	simm.s32 $0x108;
	s8 =	sld [smem:$0x3FB0]  }
0x2e: {  	s3 =	simm.s32 @!p0 $0x1082;
	s9 =	sld [smem:$0x3FB1]  }
0x2f: {  	lr =	sadd.s32 s0, s3;
	s0 =	sld [smem:$0x3FA8]  }
0x30: {  	s3 =	sld [smem:$0x3FAB]  }
0x31: {  	[smem:$0x3FB4] =	sst s10  }
0x32: {  	s10 =	sld [smem:$0x3FB2];
	_ =	sdelay $0x3  }
0x33: {  	p0 =	seq.s32 s10, $0x1;
	s10 =	sld [smem:$0x3FB4];
	_ =	sdelay $0x3  }
0x34: {  	[smem:$0x3FB4] =	sst s10  }
0x35: {  	s10 =	sld [smem:$0x3FB3];
	_ =	sdelay $0x3  }
0x36: {  	p1 =	seq.s32 s10, $0x1;
	s10 =	sld [smem:$0x3FB4];
	_ =	sdelay $0x3  }
0x37: {  	[smem:$0x3FB4] =	sst s10  }
0x38: {  	s10 =	sld [smem:$0x3FB5]  }
0x39: {  	_ = 	snop;
	(pc) =	sbr.ind lr, $3  }
0x3a: {  	_ = 	snop  }
0x3b: {  	_ = 	snop  }
0x3c: {  	p2 =	seq.s32 s10, $0x1;
	s10 =	sld [smem:$0x3FB4]  }
0x3d: {  	_ =	shalt  }
0x3e: {  	_ =	shalt  }
0x3f: {  	_ =	shalt  }
0x40: {  	_ =	shalt  }
0x41: {  	_ =	shalt  }
0x42: {  	_ =	shalt  }
0x43: {  	_ =	shalt  }
0x44: {  	_ =	shalt  }
0x45: {  	_ =	shalt  }
0x46: {  	_ =	shalt  }
0x47: {  	_ =	shalt  }
0x48: {  	_ =	shalt  }
0x49: {  	_ =	shalt  }
0x4a: {  	_ =	shalt  }
0x4b: {  	_ =	shalt  }
0x4c: {  	_ =	shalt  }
0x4d: {  	_ =	shalt  }
0x4e: {  	_ =	shalt  }
0x4f: {  	_ =	shalt  }
0x50: {  	_ =	shalt  }
0x51: {  	_ =	shalt  }
0x52: {  	_ =	shalt  }
0x53: {  	_ =	shalt  }
0x54: {  	_ =	shalt  }
0x55: {  	_ =	shalt  }
0x56: {  	_ =	shalt  }
0x57: {  	_ =	shalt  }
0x58: {  	_ =	shalt  }
0x59: {  	_ =	shalt  }
0x5a: {  	_ =	shalt  }
0x5b: {  	_ =	shalt  }
0x5c: {  	_ =	shalt  }
0x5d: {  	_ =	shalt  }
0x5e: {  	_ =	shalt  }
0x5f: {  	_ =	shalt  }
0x60: {  	_ =	shalt  }
0x61: {  	_ =	shalt  }
0x62: {  	_ =	shalt  }
0x63: {  	_ =	shalt  }
0x64: {  	_ =	shalt  }
0x65: {  	_ =	shalt  }
0x66: {  	_ =	shalt  }
0x67: {  	_ =	shalt  }
0x68: {  	_ =	shalt  }
0x69: {  	_ =	shalt  }
0x6a: {  	_ =	shalt  }
0x6b: {  	_ =	shalt  }
0x6c: {  	_ =	shalt  }
0x6d: {  	_ =	shalt  }
0x6e: {  	_ =	shalt  }
0x6f: {  	_ =	shalt  }
0x70: {  	_ =	shalt  }
0x71: {  	_ =	shalt  }
0x72: {  	_ =	shalt  }
0x73: {  	_ =	shalt  }
0x74: {  	_ =	shalt  }
0x75: {  	_ =	shalt  }
0x76: {  	_ =	shalt  }
0x77: {  	_ =	shalt  }
0x78: {  	_ =	shalt  }
0x79: {  	_ =	shalt  }
0x7a: {  	_ =	shalt  }
0x7b: {  	_ =	shalt  }
0x7c: {  	_ =	shalt  }
0x7d: {  	_ =	shalt  }
0x7e: {  	_ =	shalt  }
0x7f: {  	_ =	shalt  }
0x80: {  	_ =	shalt  }
0x81: {  	_ =	shalt  }
0x82: {  	_ =	shalt  }
0x83: {  	_ =	shalt  }
0x84: {  	_ =	shalt  }
0x85: {  	_ =	shalt  }
0x86: {  	_ =	shalt  }
0x87: {  	_ =	shalt  }
.Lfunc_end0:
.L_simem_size_0:
called_computation.2_lowered:
.L_overlay_start_0:
0x88: {  	s2 =	sld [smem:$0x3FD9]  }
0x89: {  	s3 =	sld [smem:$0x3FFE];
	_ =	sdelay $0x1  }
0x8a: {  	s1 =	srdreg.scid  }
0x8b: {  	s0 =	sand.u32 $0x1, s1  }
0x8c: {  	s16 =	sshll.u32 s0, $0xA;
	s2 =	sadd.s32 s3, s2  }
0x8d: {  	s2 =	sadd.s32 s2, s16  }
0x8e: {  	[smem:$0x3FC0] =	sst s2  }
0x8f: {  	_ = 	snop  }
0x90: {  	(tm) =	ssettm $0x1  }
0x91: {  	s17 =	sld [smem:$0x3FFB];
	_ =	sdelay $0x3  }
0x92: {  	_ =	strace s17  }
0x93: {  	s2 =	sld [smem:$0x3FFC];
	_ =	sdelay $0x3  }
0x94: {  	_ =	strace s2  }
0x95: {  	s2 =	sld [smem:$0x3FFD];
	_ =	sdelay $0x3  }
0x96: {  	_ =	strace s2  }
0x97: {  	_ =	strace $0x8FFFFFFF  }
0x98: {  	s18 =	sld [smem:$0x3FDB];
	_ =	sdelay $0x1  }
0x99: {  	s19 =	simm.s32 $_scs_section_size  }
0x9a: {  	s4 =	simm.s32 $_size__tile_overlayer_lowered;
	s5 =	simm.s32 $_tile_overlayer_lowered  }
0x9b: {  	s22 =	simm.s32 $0x1BFF;
	s21 =	sshll.u32 s5, $0x1;
	s2 =	sadd.s32 s19, s18  }
0x9c: {  	s6 =	simm.s32 $0x0;
	s20 =	sshll.u32 s4, $0x1;
	s4 =	sadd.s32 s21, s2  }
0x9d: {  	[timem:s6], [sflag:s22] =	dma.local [hbm:s4], s20  }
0x9e: {  	_ =	swait.ge [sflag:s22], s20  }
0x9f: {  	s3 =	ssub.s32 $0x0, s20;
	[sflag:s22] =	ssyncset.done $0x0  }
0xa0: {  	[sflag:s22] =	ssyncadd.s32 s3;
	_ =	sdelay $0x1  }
0xa1: {  	s23 =	simm.s32 $0x1B8B  }
0xa2: {  	_ =	swait.ge [sflag:s23], $0x1  }
0xa3: {  	[sflag:s23] =	ssyncset.done $0x0  }
0xa4: {  	s25 =	simm.s32 $0x1B8E;
	s24 =	sld [smem:$0x3FFE];
	[sflag:s23] =	ssyncadd.s32 $0xFFFFFFFF  }
0xa5: {  	s26 =	simm.s32 $execute0_lowered;
	[smem:$0x3FD2] =	sst s25  }
0xa6: {  	s4 =	sshll.u32 s26, $0x1;
	_ =	strace $0x8000004C;
	[dreg:$0x1] =	wrdreg $0xFFFFFFFF  }
0xa7: {  	s28 =	simm.s32 $_size_execute0_lowered;
	s2 =	sadd.s32 s2, s4;
	[dreg:$0x0] =	wrdreg $0x0  }
0xa8: {  	s4 =	sshll.u32 s28, $0x1;
	[dreg:$0x2] =	wrdreg s2  }
0xa9: {  	[dreg:$0x3] =	wrdreg s4  }
0xaa: {  	[dreg:$0x4] =	wrdreg $0xC0  }
0xab: {  	_ =	task [dreg:s6], $0x5FFFF  }
0xac: {  	[dreg:$0x1] =	wrdreg $0xFFFFFFFF  }
0xad: {  	[dreg:$0x0] =	wrdreg $0x60  }
0xae: {  	[dreg:$0x2] =	wrdreg s24  }
0xaf: {  	[dreg:$0x3] =	wrdreg $0x50000  }
0xb0: {  	[dreg:$0x4] =	wrdreg $0x9  }
0xb1: {  	_ =	task.clear_ibuf [dreg:s6], $0x5FFFF;
	_ =	strace $0x9000004C  }
0xb2: {  	s29 =	simm.s32 $0x9;
	_ =	strace $0x8000004E  }
0xb3: {  	_ =	swait.ge [sflag:s29], $0x1  }
0xb4: {  	[sflag:s29] =	ssyncadd.s32 $0xFFFFFFFF  }
0xb5: {  	_ =	strace $0x9000004E  }
0xb6: {  	_ =	sfence  }
0xb7: {  	s30 =	sld [smem:$0x0];
	_ =	sdelay $0x2  }
0xb8: {  	s31 =	sshll.u32 s1, $0xD;
	s1 =	sshrl.u32 s1, $0x2  }
0xb9: {  	s3 =	sand.u32 $0x4000, s31;
	s1 =	sadd.s32 s1, s30  }
0xba: {  	s0 =	sor.u32 s3, s0;
	s1 =	sshll.u32 s1, $0x11  }
0xbb: {  	s0 =	sor.u32 s1, s0  }
0xbc: {  	s0 =	sadd.s32 $0x8F2B, s0  }
0xbd: {  	[sflag:s0] =	ssyncadd.remote.s32 $0x1  }
0xbe: {  	_ =	sfence.sel $0xFFFF  }
0xbf: {  	[dreg:$0x0] =	wrdreg $0xFFFFFFFF;
	(pc) =	sbr.abs _section_cstart, $3  }
0xc0: {  	[dreg:$0x1] =	wrdreg $0xFFFFFFFF  }
0xc1: {  	_ =	task.clear_ibuf [dreg:s6], $0x2FFFF;
	_ =	strace $0x9FFFFFFF  }
0xc2: {  	(tm) =	ssettm $0x7FFFFFFF  }
0xc3: {  	_ =	shalt  }
tec
execute0_lowered:
.L_overlay_start_1:
0x0: {  	(tag) =	ssettag $0x1  }
0x1: {  	s0 =	rddreg [dreg:$0x0]  }
0x2: {  	s1 =	rddreg [dreg:$0x1]  }
0x3: {  	s4 =	stileid.u32;
	s2 =	srdreg.scid  }
0x4: {  	s11 =	simm.s32 $0x100;
	s5 =	sand.u32 $0x1, s2;
	s2 =	simm.s32 $0x0  }
0x5: {  	s12 =	simm.s32 $0x880;
	s8 =	sadd.s32 $0x33800, s0;
	[smem:$0x7FF] =	sst s2  }
0x6: {  	s13 =	simm.s32 $0x180;
	_ =	strace $0x8000004D;
	[dreg:$0x11] =	wrdreg s8  }
0x7: {  	s14 =	simm.s32 $0x900;
	s16 =	simm.s32 $0x200;
	[dreg:$0x3] =	wrdreg s11  }
0x8: {  	s18 =	simm.s32 $0x980;
	s19 =	simm.s32 $0x280;
	[dreg:$0x4] =	wrdreg s12  }
0x9: {  	s20 =	simm.s32 $0xA00;
	s21 =	simm.s32 $0x300;
	[dreg:$0x5] =	wrdreg s13  }
0xa: {  	s22 =	simm.s32 $0xA80;
	s23 =	simm.s32 $0x380;
	[dreg:$0x6] =	wrdreg s14  }
0xb: {  	s24 =	simm.s32 $0xB00;
	s25 =	simm.s32 $0x400;
	[dreg:$0x7] =	wrdreg s16  }
0xc: {  	s26 =	simm.s32 $0xB80;
	s28 =	simm.s32 $0xE00;
	[dreg:$0x8] =	wrdreg s18  }
0xd: {  	s29 =	simm.s32 $0x700;
	s30 =	simm.s32 $0xE80;
	[dreg:$0x9] =	wrdreg s19  }
0xe: {  	s31 =	simm.s32 $0x780;
	s3 =	smul.u32 $0x30, s4;
	[dreg:$0xa] =	wrdreg s20  }
0xf: {  	s6 =	smul.u32 $0x70, s4;
	p0 =	seq.s32 s5, $0x0;
	[dreg:$0xb] =	wrdreg s21  }
0x10: {  	s7 =	smul.u32 $0x14500, s5;
	s5 =	ssub.s32 $0x2, s5;
	[dreg:$0xc] =	wrdreg s22  }
0x11: {  	s3 =	sadd.s32 $0x700, s3;
	s10 =	sshrl.u32 s5, $0x1;
	[dreg:$0xd] =	wrdreg s23  }
0x12: {  	s8 =	simm.s32 $0x7;
	s11 =	simm.s32 $0x3;
	[dreg:$0xe] =	wrdreg s24  }
0x13: {  	s12 =	simm.s32 $0x800;
	s13 =	simm.s32 $0x80;
	[dreg:$0xf] =	wrdreg s25  }
0x14: {  	s14 =	simm.s32 $0x1000;
	s16 =	simm.s32 $0x3000;
	[dreg:$0x10] =	wrdreg s26  }
0x15: {  	s18 =	simm.s32 $0x480;
	s19 =	simm.s32 $0xC00;
	s20 =	simm.s32 $0x500  }
0x16: {  	s21 =	simm.s32 $0xC80;
	s22 =	simm.s32 $0x580;
	s23 =	simm.s32 $0xD00  }
0x17: {  	s3 =	smov.u32 @p0 s6;
	s5 =	ssub.s32 s5, s10;
	s8 =	simm.s32 @!p0 $0x3  }
0x18: {  	p0 =	sne.s32 s4, $0x0;
	s6 =	sshll.u32 s3, $0x4;
	s3 =	sadd.s32 $0x1FE00, s0  }
0x19: {  	[dreg:$0x12] =	wrdreg s8;
	s5 =	smax.u32 s5, $0x1;
	s6 =	sadd.s32 s6, s0  }
0x1a: {  	s0 =	sadd.s32 s7, s0;
	[dreg:$0x14] =	wrdreg s5;
	s7 =	sshrl.u32 @!p0 s1, $0x3  }
0x1b: {  	s24 =	simm.s32 $0x600;
	s0 =	sadd.s32 $0x47E00, s0;
	[dreg:$0x17] =	wrdreg s7  }
0x1c: {  	s25 =	simm.s32 $0xD80;
	s15 =	sadd.s32 $0x15E00, s6;
	[dreg:$0x13] =	wrdreg s0  }
0x1d: {  	s26 =	simm.s32 $0x680;
	s17 =	sadd.s32 $0xBE00, s6;
	[dreg:$0x15] =	wrdreg s15  }
0x1e: {  	s4 =	simm.s32 $0xF80;
	s6 =	simm.s32 $0x0;
	[dreg:$0x16] =	wrdreg s17  }
0x1f: {  	s15 =	simm.s32 $0x1;
	s17 =	simm.s32 $0x2;
	s0 =	simm.s32 $0xF00  }
.LBB2_1:
0x20: {  	s8 =	simm.s32 @!p0 $0x1C03;
	s5 =	rddreg [dreg:$0x11]  }
0x21: {  	[spmem:s7], [sflag:s8] =	dma.local @!p0 [hbm:s5], $0x14500  }
0x22: {  	s5 =	simm.s32 @!p0 $0x3  }
0x23: {  	_ =	swait.ge @!p0 [sflag:s5], $0x14500  }
0x24: {  	[sflag:s5] =	ssyncset.done @!p0 $0x0  }
0x25: {  	[sflag:s5] =	ssyncadd.s32 @!p0 $0xFFFEBB00  }
0x26: {  	[bflag:$0x0] =	sbarrier.arrive $0xFFFF  }
0x27: {  	s9 =	rddreg [dreg:$0x16]  }
0x28: {  	[tilespmem:s2], [sflag:$0x3] =	stream.linear.gather [hbm4b:s9+s2], $0x800, $0x38;
	[tilespmem:$0xF280] =	vst v63  }
0x29: {  	_ =	swait.ge [sflag:s11], $0x800  }
0x2a: {  	[sflag:s11] =	ssyncset.done $0x0  }
0x2b: {  	s7 =	rddreg [dreg:$0x15];
	[sflag:s11] =	ssyncadd.s32 $0xFFFFF800  }
0x2c: {  	[tilespmem:s12], [sflag:$0x3] =	stream.linear.gather [hbm4b:s7+s2], $0x800, $0x38;
	[tilespmem:$0xF280] =	vst v63  }
0x2d: {  	_ =	swait.ge [sflag:s11], $0x800  }
0x2e: {  	[sflag:s11] =	ssyncset.done $0x0  }
0x2f: {  	[sflag:s11] =	ssyncadd.s32 $0xFFFFF800  }
0x30: {  	[tilespmem:s14], [sflag:$0x1] =	stream.indirect.gather [hbm4b:s3+s13], $0x40, s2, s13, $0xb8;
	[tilespmem:$0xF280] =	vst v63  }
0x31: {  	_ =	swait.ge [sflag:s15], $0x2000  }
0x32: {  	[sflag:s15] =	ssyncset.done $0x0  }
0x33: {  	[sflag:s15] =	ssyncadd.s32 $0xFFFFE000  }
0x34: {  	[tilespmem:s16], [sflag:$0x2] =	stream.indirect.gather [hbm4b:s3+s13], $0x40, s13, s13, $0xb8;
	[tilespmem:$0xF280] =	vst v63  }
0x35: {  	_ = 	snop  }
0x36: {  	[spmem:s1] =	stream.indirect.scatter.add.f32 [tilespmem:s14], [sflag:$0x3], $0x40, s12, s13, $0xb8;
	[tilespmem:$0xF280] =	vst v63  }
0x37: {  	_ =	swait.ge [sflag:s11], $0x2000  }
0x38: {  	[sflag:s11] =	ssyncset.done $0x0  }
0x39: {  	[sflag:s11] =	ssyncadd.s32 $0xFFFFE000  }
0x3a: {  	_ =	swait.ge [sflag:s17], $0x2000  }
0x3b: {  	[sflag:s17] =	ssyncset.done $0x0  }
0x3c: {  	s8 =	rddreg [dreg:$0x3];
	[sflag:s17] =	ssyncadd.s32 $0xFFFFE000  }
0x3d: {  	[tilespmem:s14], [sflag:$0x1] =	stream.indirect.gather [hbm4b:s3+s13], $0x40, s8, s13, $0xb8;
	[tilespmem:$0xF280] =	vst v63  }
0x3e: {  	s10 =	rddreg [dreg:$0x4]  }
0x3f: {  	[spmem:s1] =	stream.indirect.scatter.add.f32 [tilespmem:s16], [sflag:$0x3], $0x40, s10, s13, $0xb8;
	[tilespmem:$0xF280] =	vst v63  }
0x40: {  	_ =	swait.ge [sflag:s11], $0x2000  }
0x41: {  	[sflag:s11] =	ssyncset.done $0x0  }
0x42: {  	[sflag:s11] =	ssyncadd.s32 $0xFFFFE000  }
0x43: {  	_ =	swait.ge [sflag:s15], $0x2000  }
0x44: {  	[sflag:s15] =	ssyncset.done $0x0  }
0x45: {  	s8 =	rddreg [dreg:$0x5];
	[sflag:s15] =	ssyncadd.s32 $0xFFFFE000  }
0x46: {  	[tilespmem:s16], [sflag:$0x2] =	stream.indirect.gather [hbm4b:s3+s13], $0x40, s8, s13, $0xb8;
	[tilespmem:$0xF280] =	vst v63  }
0x47: {  	s10 =	rddreg [dreg:$0x6]  }
0x48: {  	[spmem:s1] =	stream.indirect.scatter.add.f32 [tilespmem:s14], [sflag:$0x3], $0x40, s10, s13, $0xb8;
	[tilespmem:$0xF280] =	vst v63  }
0x49: {  	_ =	swait.ge [sflag:s11], $0x2000  }
0x4a: {  	[sflag:s11] =	ssyncset.done $0x0  }
0x4b: {  	[sflag:s11] =	ssyncadd.s32 $0xFFFFE000  }
0x4c: {  	_ =	swait.ge [sflag:s17], $0x2000  }
0x4d: {  	[sflag:s17] =	ssyncset.done $0x0  }
0x4e: {  	s8 =	rddreg [dreg:$0x7];
	[sflag:s17] =	ssyncadd.s32 $0xFFFFE000  }
0x4f: {  	[tilespmem:s14], [sflag:$0x1] =	stream.indirect.gather [hbm4b:s3+s13], $0x40, s8, s13, $0xb8;
	[tilespmem:$0xF280] =	vst v63  }
0x50: {  	s10 =	rddreg [dreg:$0x8]  }
0x51: {  	[spmem:s1] =	stream.indirect.scatter.add.f32 [tilespmem:s16], [sflag:$0x3], $0x40, s10, s13, $0xb8;
	[tilespmem:$0xF280] =	vst v63  }
0x52: {  	_ =	swait.ge [sflag:s11], $0x2000  }
0x53: {  	[sflag:s11] =	ssyncset.done $0x0  }
0x54: {  	[sflag:s11] =	ssyncadd.s32 $0xFFFFE000  }
0x55: {  	_ =	swait.ge [sflag:s15], $0x2000  }
0x56: {  	[sflag:s15] =	ssyncset.done $0x0  }
0x57: {  	s8 =	rddreg [dreg:$0x9];
	[sflag:s15] =	ssyncadd.s32 $0xFFFFE000  }
0x58: {  	[tilespmem:s16], [sflag:$0x2] =	stream.indirect.gather [hbm4b:s3+s13], $0x40, s8, s13, $0xb8;
	[tilespmem:$0xF280] =	vst v63  }
0x59: {  	s10 =	rddreg [dreg:$0xa]  }
0x5a: {  	[spmem:s1] =	stream.indirect.scatter.add.f32 [tilespmem:s14], [sflag:$0x3], $0x40, s10, s13, $0xb8;
	[tilespmem:$0xF280] =	vst v63  }
0x5b: {  	_ =	swait.ge [sflag:s11], $0x2000  }
0x5c: {  	[sflag:s11] =	ssyncset.done $0x0  }
0x5d: {  	[sflag:s11] =	ssyncadd.s32 $0xFFFFE000  }
0x5e: {  	_ =	swait.ge [sflag:s17], $0x2000  }
0x5f: {  	[sflag:s17] =	ssyncset.done $0x0  }
0x60: {  	s8 =	rddreg [dreg:$0xb];
	[sflag:s17] =	ssyncadd.s32 $0xFFFFE000  }
0x61: {  	[tilespmem:s14], [sflag:$0x1] =	stream.indirect.gather [hbm4b:s3+s13], $0x40, s8, s13, $0xb8;
	[tilespmem:$0xF280] =	vst v63  }
0x62: {  	s10 =	rddreg [dreg:$0xc]  }
0x63: {  	[spmem:s1] =	stream.indirect.scatter.add.f32 [tilespmem:s16], [sflag:$0x3], $0x40, s10, s13, $0xb8;
	[tilespmem:$0xF280] =	vst v63  }
0x64: {  	_ =	swait.ge [sflag:s11], $0x2000  }
0x65: {  	[sflag:s11] =	ssyncset.done $0x0  }
0x66: {  	[sflag:s11] =	ssyncadd.s32 $0xFFFFE000  }
0x67: {  	_ =	swait.ge [sflag:s15], $0x2000  }
0x68: {  	[sflag:s15] =	ssyncset.done $0x0  }
0x69: {  	s8 =	rddreg [dreg:$0xd];
	[sflag:s15] =	ssyncadd.s32 $0xFFFFE000  }
0x6a: {  	[tilespmem:s16], [sflag:$0x2] =	stream.indirect.gather [hbm4b:s3+s13], $0x40, s8, s13, $0xb8;
	[tilespmem:$0xF280] =	vst v63  }
0x6b: {  	s10 =	rddreg [dreg:$0xe]  }
0x6c: {  	[spmem:s1] =	stream.indirect.scatter.add.f32 [tilespmem:s14], [sflag:$0x3], $0x40, s10, s13, $0xb8;
	[tilespmem:$0xF280] =	vst v63  }
0x6d: {  	_ =	swait.ge [sflag:s11], $0x2000  }
0x6e: {  	[sflag:s11] =	ssyncset.done $0x0  }
0x6f: {  	[sflag:s11] =	ssyncadd.s32 $0xFFFFE000  }
0x70: {  	_ =	swait.ge [sflag:s17], $0x2000  }
0x71: {  	[sflag:s17] =	ssyncset.done $0x0  }
0x72: {  	s8 =	rddreg [dreg:$0xf];
	[sflag:s17] =	ssyncadd.s32 $0xFFFFE000  }
0x73: {  	[tilespmem:s14], [sflag:$0x1] =	stream.indirect.gather [hbm4b:s3+s13], $0x40, s8, s13, $0xb8;
	[tilespmem:$0xF280] =	vst v63  }
0x74: {  	s10 =	rddreg [dreg:$0x10]  }
0x75: {  	[spmem:s1] =	stream.indirect.scatter.add.f32 [tilespmem:s16], [sflag:$0x3], $0x40, s10, s13, $0xb8;
	[tilespmem:$0xF280] =	vst v63  }
0x76: {  	_ =	swait.ge [sflag:s11], $0x2000  }
0x77: {  	[sflag:s11] =	ssyncset.done $0x0  }
0x78: {  	[sflag:s11] =	ssyncadd.s32 $0xFFFFE000  }
0x79: {  	_ =	swait.ge [sflag:s15], $0x2000  }
0x7a: {  	[sflag:s15] =	ssyncset.done $0x0  }
0x7b: {  	[sflag:s15] =	ssyncadd.s32 $0xFFFFE000  }
0x7c: {  	[tilespmem:s16], [sflag:$0x2] =	stream.indirect.gather [hbm4b:s3+s13], $0x40, s18, s13, $0xb8;
	[tilespmem:$0xF280] =	vst v63  }
0x7d: {  	_ = 	snop  }
0x7e: {  	[spmem:s1] =	stream.indirect.scatter.add.f32 [tilespmem:s14], [sflag:$0x3], $0x40, s19, s13, $0xb8;
	[tilespmem:$0xF280] =	vst v63  }
0x7f: {  	_ =	swait.ge [sflag:s11], $0x2000  }
0x80: {  	[sflag:s11] =	ssyncset.done $0x0  }
0x81: {  	[sflag:s11] =	ssyncadd.s32 $0xFFFFE000  }
0x82: {  	_ =	swait.ge [sflag:s17], $0x2000  }
0x83: {  	[sflag:s17] =	ssyncset.done $0x0  }
0x84: {  	[sflag:s17] =	ssyncadd.s32 $0xFFFFE000  }
0x85: {  	[tilespmem:s14], [sflag:$0x1] =	stream.indirect.gather [hbm4b:s3+s13], $0x40, s20, s13, $0xb8;
	[tilespmem:$0xF280] =	vst v63  }
0x86: {  	_ = 	snop  }
0x87: {  	[spmem:s1] =	stream.indirect.scatter.add.f32 [tilespmem:s16], [sflag:$0x3], $0x40, s21, s13, $0xb8;
	[tilespmem:$0xF280] =	vst v63  }
0x88: {  	_ =	swait.ge [sflag:s11], $0x2000  }
0x89: {  	[sflag:s11] =	ssyncset.done $0x0  }
0x8a: {  	[sflag:s11] =	ssyncadd.s32 $0xFFFFE000  }
0x8b: {  	_ =	swait.ge [sflag:s15], $0x2000  }
0x8c: {  	[sflag:s15] =	ssyncset.done $0x0  }
0x8d: {  	[sflag:s15] =	ssyncadd.s32 $0xFFFFE000  }
0x8e: {  	[tilespmem:s16], [sflag:$0x2] =	stream.indirect.gather [hbm4b:s3+s13], $0x40, s22, s13, $0xb8;
	[tilespmem:$0xF280] =	vst v63  }
0x8f: {  	_ = 	snop  }
0x90: {  	[spmem:s1] =	stream.indirect.scatter.add.f32 [tilespmem:s14], [sflag:$0x3], $0x40, s23, s13, $0xb8;
	[tilespmem:$0xF280] =	vst v63  }
0x91: {  	_ =	swait.ge [sflag:s11], $0x2000  }
0x92: {  	[sflag:s11] =	ssyncset.done $0x0  }
0x93: {  	[sflag:s11] =	ssyncadd.s32 $0xFFFFE000  }
0x94: {  	_ =	swait.ge [sflag:s17], $0x2000  }
0x95: {  	[sflag:s17] =	ssyncset.done $0x0  }
0x96: {  	[sflag:s17] =	ssyncadd.s32 $0xFFFFE000  }
0x97: {  	[tilespmem:s14], [sflag:$0x1] =	stream.indirect.gather [hbm4b:s3+s13], $0x40, s24, s13, $0xb8;
	[tilespmem:$0xF280] =	vst v63  }
0x98: {  	_ = 	snop  }
0x99: {  	[spmem:s1] =	stream.indirect.scatter.add.f32 [tilespmem:s16], [sflag:$0x3], $0x40, s25, s13, $0xb8;
	[tilespmem:$0xF280] =	vst v63  }
0x9a: {  	_ =	swait.ge [sflag:s11], $0x2000  }
0x9b: {  	[sflag:s11] =	ssyncset.done $0x0  }
0x9c: {  	[sflag:s11] =	ssyncadd.s32 $0xFFFFE000  }
0x9d: {  	_ =	swait.ge [sflag:s15], $0x2000  }
0x9e: {  	[sflag:s15] =	ssyncset.done $0x0  }
0x9f: {  	[sflag:s15] =	ssyncadd.s32 $0xFFFFE000  }
0xa0: {  	[tilespmem:s16], [sflag:$0x2] =	stream.indirect.gather [hbm4b:s3+s13], $0x40, s26, s13, $0xb8;
	[tilespmem:$0xF280] =	vst v63  }
0xa1: {  	_ = 	snop  }
0xa2: {  	[spmem:s1] =	stream.indirect.scatter.add.f32 [tilespmem:s14], [sflag:$0x3], $0x40, s28, s13, $0xb8;
	[tilespmem:$0xF280] =	vst v63  }
0xa3: {  	_ =	swait.ge [sflag:s11], $0x2000  }
0xa4: {  	[sflag:s11] =	ssyncset.done $0x0  }
0xa5: {  	[sflag:s11] =	ssyncadd.s32 $0xFFFFE000  }
0xa6: {  	_ =	swait.ge [sflag:s17], $0x2000  }
0xa7: {  	[sflag:s17] =	ssyncset.done $0x0  }
0xa8: {  	[sflag:s17] =	ssyncadd.s32 $0xFFFFE000  }
0xa9: {  	[tilespmem:s14], [sflag:$0x1] =	stream.indirect.gather [hbm4b:s3+s13], $0x40, s29, s13, $0xb8;
	[tilespmem:$0xF280] =	vst v63  }
0xaa: {  	_ = 	snop  }
0xab: {  	[spmem:s1] =	stream.indirect.scatter.add.f32 [tilespmem:s16], [sflag:$0x3], $0x40, s30, s13, $0xb8;
	[tilespmem:$0xF280] =	vst v63  }
0xac: {  	_ =	swait.ge [sflag:s11], $0x2000  }
0xad: {  	[sflag:s11] =	ssyncset.done $0x0  }
0xae: {  	[sflag:s11] =	ssyncadd.s32 $0xFFFFE000  }
0xaf: {  	_ =	swait.ge [sflag:s15], $0x2000  }
0xb0: {  	[sflag:s15] =	ssyncset.done $0x0  }
0xb1: {  	[sflag:s15] =	ssyncadd.s32 $0xFFFFE000  }
0xb2: {  	[tilespmem:s16], [sflag:$0x2] =	stream.indirect.gather [hbm4b:s3+s13], $0x40, s31, s13, $0xb8;
	[tilespmem:$0xF280] =	vst v63  }
0xb3: {  	_ = 	snop  }
0xb4: {  	[spmem:s1] =	stream.indirect.scatter.add.f32 [tilespmem:s14], [sflag:$0x3], $0x40, s0, s13, $0xb8;
	[tilespmem:$0xF280] =	vst v63  }
0xb5: {  	_ =	swait.ge [sflag:s11], $0x2000  }
0xb6: {  	[sflag:s11] =	ssyncset.done $0x0  }
0xb7: {  	[sflag:s11] =	ssyncadd.s32 $0xFFFFE000  }
0xb8: {  	_ =	swait.ge [sflag:s17], $0x2000  }
0xb9: {  	s10 =	rddreg [dreg:$0x12]  }
0xba: {  	p1 =	sne.s32 s10, $0x1  }
.Ltmp0:
0xbb: {  	[sflag:s17] =	ssyncset.done $0x0;
	(pc) =	sbr.rel @!p1 .LBB2_3-.Ltmp0, $4  }
0xbc: {  	[sflag:s17] =	ssyncadd.s32 $0xFFFFE000  }
0xbd: {  	[spmem:s1] =	stream.indirect.scatter.add.f32 [tilespmem:s16], [sflag:$0x3], $0x40, s4, s13, $0xb8;
	[tilespmem:$0xF280] =	vst v63  }
0xbe: {  	_ =	swait.ge [sflag:s11], $0x2000  }
0xbf: {  	s5 =	smov.u32 s7;
	s8 =	sadd.s32 $0xFFFFFFFF, s10;
	[sflag:s11] =	ssyncset.done $0x0  }
.LBB2_2:
0xc0: {  	[sflag:s11] =	ssyncadd.s32 $0xFFFFE000;
	s9 =	sadd.s32 $0x100, s9  }
0xc1: {  	[tilespmem:s2], [sflag:$0x3] =	stream.linear.gather [hbm4b:s9+s2], $0x800, $0x38;
	[tilespmem:$0xF280] =	vst v63  }
0xc2: {  	_ =	swait.ge [sflag:s11], $0x800  }
0xc3: {  	[sflag:s11] =	ssyncset.done $0x0  }
0xc4: {  	s5 =	sadd.s32 $0x100, s5;
	[sflag:s11] =	ssyncadd.s32 $0xFFFFF800  }
0xc5: {  	[tilespmem:s12], [sflag:$0x3] =	stream.linear.gather [hbm4b:s5+s2], $0x800, $0x38;
	[tilespmem:$0xF280] =	vst v63  }
0xc6: {  	_ =	swait.ge [sflag:s11], $0x800  }
0xc7: {  	[sflag:s11] =	ssyncset.done $0x0  }
0xc8: {  	[sflag:s11] =	ssyncadd.s32 $0xFFFFF800  }
0xc9: {  	[tilespmem:s14], [sflag:$0x1] =	stream.indirect.gather [hbm4b:s3+s13], $0x40, s2, s13, $0xb8;
	[tilespmem:$0xF280] =	vst v63  }
0xca: {  	_ =	swait.ge [sflag:s15], $0x2000  }
0xcb: {  	[sflag:s15] =	ssyncset.done $0x0  }
0xcc: {  	[sflag:s15] =	ssyncadd.s32 $0xFFFFE000  }
0xcd: {  	[tilespmem:s16], [sflag:$0x2] =	stream.indirect.gather [hbm4b:s3+s13], $0x40, s13, s13, $0xb8;
	[tilespmem:$0xF280] =	vst v63  }
0xce: {  	_ = 	snop  }
0xcf: {  	[spmem:s1] =	stream.indirect.scatter.add.f32 [tilespmem:s14], [sflag:$0x3], $0x40, s12, s13, $0xb8;
	[tilespmem:$0xF280] =	vst v63  }
0xd0: {  	_ =	swait.ge [sflag:s11], $0x2000  }
0xd1: {  	[sflag:s11] =	ssyncset.done $0x0  }
0xd2: {  	[sflag:s11] =	ssyncadd.s32 $0xFFFFE000  }
0xd3: {  	_ =	swait.ge [sflag:s17], $0x2000  }
0xd4: {  	[sflag:s17] =	ssyncset.done $0x0  }
0xd5: {  	s10 =	rddreg [dreg:$0x3];
	[sflag:s17] =	ssyncadd.s32 $0xFFFFE000  }
0xd6: {  	[tilespmem:s14], [sflag:$0x1] =	stream.indirect.gather [hbm4b:s3+s13], $0x40, s10, s13, $0xb8;
	[tilespmem:$0xF280] =	vst v63  }
0xd7: {  	s7 =	rddreg [dreg:$0x4]  }
0xd8: {  	[spmem:s1] =	stream.indirect.scatter.add.f32 [tilespmem:s16], [sflag:$0x3], $0x40, s7, s13, $0xb8;
	[tilespmem:$0xF280] =	vst v63  }
0xd9: {  	_ =	swait.ge [sflag:s11], $0x2000  }
0xda: {  	[sflag:s11] =	ssyncset.done $0x0  }
0xdb: {  	[sflag:s11] =	ssyncadd.s32 $0xFFFFE000  }
0xdc: {  	_ =	swait.ge [sflag:s15], $0x2000  }
0xdd: {  	[sflag:s15] =	ssyncset.done $0x0  }
0xde: {  	s7 =	rddreg [dreg:$0x5];
	[sflag:s15] =	ssyncadd.s32 $0xFFFFE000  }
0xdf: {  	[tilespmem:s16], [sflag:$0x2] =	stream.indirect.gather [hbm4b:s3+s13], $0x40, s7, s13, $0xb8;
	[tilespmem:$0xF280] =	vst v63  }
0xe0: {  	s10 =	rddreg [dreg:$0x6]  }
0xe1: {  	[spmem:s1] =	stream.indirect.scatter.add.f32 [tilespmem:s14], [sflag:$0x3], $0x40, s10, s13, $0xb8;
	[tilespmem:$0xF280] =	vst v63  }
0xe2: {  	_ =	swait.ge [sflag:s11], $0x2000  }
0xe3: {  	[sflag:s11] =	ssyncset.done $0x0  }
0xe4: {  	[sflag:s11] =	ssyncadd.s32 $0xFFFFE000  }
0xe5: {  	_ =	swait.ge [sflag:s17], $0x2000  }
0xe6: {  	[sflag:s17] =	ssyncset.done $0x0  }
0xe7: {  	s7 =	rddreg [dreg:$0x7];
	[sflag:s17] =	ssyncadd.s32 $0xFFFFE000  }
0xe8: {  	[tilespmem:s14], [sflag:$0x1] =	stream.indirect.gather [hbm4b:s3+s13], $0x40, s7, s13, $0xb8;
	[tilespmem:$0xF280] =	vst v63  }
0xe9: {  	s10 =	rddreg [dreg:$0x8]  }
0xea: {  	[spmem:s1] =	stream.indirect.scatter.add.f32 [tilespmem:s16], [sflag:$0x3], $0x40, s10, s13, $0xb8;
	[tilespmem:$0xF280] =	vst v63  }
0xeb: {  	_ =	swait.ge [sflag:s11], $0x2000  }
0xec: {  	[sflag:s11] =	ssyncset.done $0x0  }
0xed: {  	[sflag:s11] =	ssyncadd.s32 $0xFFFFE000  }
0xee: {  	_ =	swait.ge [sflag:s15], $0x2000  }
0xef: {  	[sflag:s15] =	ssyncset.done $0x0  }
0xf0: {  	s7 =	rddreg [dreg:$0x9];
	[sflag:s15] =	ssyncadd.s32 $0xFFFFE000  }
0xf1: {  	[tilespmem:s16], [sflag:$0x2] =	stream.indirect.gather [hbm4b:s3+s13], $0x40, s7, s13, $0xb8;
	[tilespmem:$0xF280] =	vst v63  }
0xf2: {  	s10 =	rddreg [dreg:$0xa]  }
0xf3: {  	[spmem:s1] =	stream.indirect.scatter.add.f32 [tilespmem:s14], [sflag:$0x3], $0x40, s10, s13, $0xb8;
	[tilespmem:$0xF280] =	vst v63  }
0xf4: {  	_ =	swait.ge [sflag:s11], $0x2000  }
0xf5: {  	[sflag:s11] =	ssyncset.done $0x0  }
0xf6: {  	[sflag:s11] =	ssyncadd.s32 $0xFFFFE000  }
0xf7: {  	_ =	swait.ge [sflag:s17], $0x2000  }
0xf8: {  	[sflag:s17] =	ssyncset.done $0x0  }
0xf9: {  	s7 =	rddreg [dreg:$0xb];
	[sflag:s17] =	ssyncadd.s32 $0xFFFFE000  }
0xfa: {  	[tilespmem:s14], [sflag:$0x1] =	stream.indirect.gather [hbm4b:s3+s13], $0x40, s7, s13, $0xb8;
	[tilespmem:$0xF280] =	vst v63  }
0xfb: {  	s10 =	rddreg [dreg:$0xc]  }
0xfc: {  	[spmem:s1] =	stream.indirect.scatter.add.f32 [tilespmem:s16], [sflag:$0x3], $0x40, s10, s13, $0xb8;
	[tilespmem:$0xF280] =	vst v63  }
0xfd: {  	_ =	swait.ge [sflag:s11], $0x2000  }
0xfe: {  	[sflag:s11] =	ssyncset.done $0x0  }
0xff: {  	[sflag:s11] =	ssyncadd.s32 $0xFFFFE000  }
0x100: {  	_ =	swait.ge [sflag:s15], $0x2000  }
0x101: {  	[sflag:s15] =	ssyncset.done $0x0  }
0x102: {  	s7 =	rddreg [dreg:$0xd];
	[sflag:s15] =	ssyncadd.s32 $0xFFFFE000  }
0x103: {  	[tilespmem:s16], [sflag:$0x2] =	stream.indirect.gather [hbm4b:s3+s13], $0x40, s7, s13, $0xb8;
	[tilespmem:$0xF280] =	vst v63  }
0x104: {  	s10 =	rddreg [dreg:$0xe]  }
0x105: {  	[spmem:s1] =	stream.indirect.scatter.add.f32 [tilespmem:s14], [sflag:$0x3], $0x40, s10, s13, $0xb8;
	[tilespmem:$0xF280] =	vst v63  }
0x106: {  	_ =	swait.ge [sflag:s11], $0x2000  }
0x107: {  	[sflag:s11] =	ssyncset.done $0x0  }
0x108: {  	[sflag:s11] =	ssyncadd.s32 $0xFFFFE000  }
0x109: {  	_ =	swait.ge [sflag:s17], $0x2000  }
0x10a: {  	[sflag:s17] =	ssyncset.done $0x0  }
0x10b: {  	s7 =	rddreg [dreg:$0xf];
	[sflag:s17] =	ssyncadd.s32 $0xFFFFE000  }
0x10c: {  	[tilespmem:s14], [sflag:$0x1] =	stream.indirect.gather [hbm4b:s3+s13], $0x40, s7, s13, $0xb8;
	[tilespmem:$0xF280] =	vst v63  }
0x10d: {  	s10 =	rddreg [dreg:$0x10]  }
0x10e: {  	[spmem:s1] =	stream.indirect.scatter.add.f32 [tilespmem:s16], [sflag:$0x3], $0x40, s10, s13, $0xb8;
	[tilespmem:$0xF280] =	vst v63  }
0x10f: {  	_ =	swait.ge [sflag:s11], $0x2000  }
0x110: {  	[sflag:s11] =	ssyncset.done $0x0  }
0x111: {  	[sflag:s11] =	ssyncadd.s32 $0xFFFFE000  }
0x112: {  	_ =	swait.ge [sflag:s15], $0x2000  }
0x113: {  	[sflag:s15] =	ssyncset.done $0x0  }
0x114: {  	[sflag:s15] =	ssyncadd.s32 $0xFFFFE000  }
0x115: {  	[tilespmem:s16], [sflag:$0x2] =	stream.indirect.gather [hbm4b:s3+s13], $0x40, s18, s13, $0xb8;
	[tilespmem:$0xF280] =	vst v63  }
0x116: {  	_ = 	snop  }
0x117: {  	[spmem:s1] =	stream.indirect.scatter.add.f32 [tilespmem:s14], [sflag:$0x3], $0x40, s19, s13, $0xb8;
	[tilespmem:$0xF280] =	vst v63  }
0x118: {  	_ =	swait.ge [sflag:s11], $0x2000  }
0x119: {  	[sflag:s11] =	ssyncset.done $0x0  }
0x11a: {  	[sflag:s11] =	ssyncadd.s32 $0xFFFFE000  }
0x11b: {  	_ =	swait.ge [sflag:s17], $0x2000  }
0x11c: {  	[sflag:s17] =	ssyncset.done $0x0  }
0x11d: {  	[sflag:s17] =	ssyncadd.s32 $0xFFFFE000  }
0x11e: {  	[tilespmem:s14], [sflag:$0x1] =	stream.indirect.gather [hbm4b:s3+s13], $0x40, s20, s13, $0xb8;
	[tilespmem:$0xF280] =	vst v63  }
0x11f: {  	_ = 	snop  }
0x120: {  	[spmem:s1] =	stream.indirect.scatter.add.f32 [tilespmem:s16], [sflag:$0x3], $0x40, s21, s13, $0xb8;
	[tilespmem:$0xF280] =	vst v63  }
0x121: {  	_ =	swait.ge [sflag:s11], $0x2000  }
0x122: {  	[sflag:s11] =	ssyncset.done $0x0  }
0x123: {  	[sflag:s11] =	ssyncadd.s32 $0xFFFFE000  }
0x124: {  	_ =	swait.ge [sflag:s15], $0x2000  }
0x125: {  	[sflag:s15] =	ssyncset.done $0x0  }
0x126: {  	[sflag:s15] =	ssyncadd.s32 $0xFFFFE000  }
0x127: {  	[tilespmem:s16], [sflag:$0x2] =	stream.indirect.gather [hbm4b:s3+s13], $0x40, s22, s13, $0xb8;
	[tilespmem:$0xF280] =	vst v63  }
0x128: {  	_ = 	snop  }
0x129: {  	[spmem:s1] =	stream.indirect.scatter.add.f32 [tilespmem:s14], [sflag:$0x3], $0x40, s23, s13, $0xb8;
	[tilespmem:$0xF280] =	vst v63  }
0x12a: {  	_ =	swait.ge [sflag:s11], $0x2000  }
0x12b: {  	[sflag:s11] =	ssyncset.done $0x0  }
0x12c: {  	[sflag:s11] =	ssyncadd.s32 $0xFFFFE000  }
0x12d: {  	_ =	swait.ge [sflag:s17], $0x2000  }
0x12e: {  	[sflag:s17] =	ssyncset.done $0x0  }
0x12f: {  	[sflag:s17] =	ssyncadd.s32 $0xFFFFE000  }
0x130: {  	[tilespmem:s14], [sflag:$0x1] =	stream.indirect.gather [hbm4b:s3+s13], $0x40, s24, s13, $0xb8;
	[tilespmem:$0xF280] =	vst v63  }
0x131: {  	_ = 	snop  }
0x132: {  	[spmem:s1] =	stream.indirect.scatter.add.f32 [tilespmem:s16], [sflag:$0x3], $0x40, s25, s13, $0xb8;
	[tilespmem:$0xF280] =	vst v63  }
0x133: {  	_ =	swait.ge [sflag:s11], $0x2000  }
0x134: {  	[sflag:s11] =	ssyncset.done $0x0  }
0x135: {  	[sflag:s11] =	ssyncadd.s32 $0xFFFFE000  }
0x136: {  	_ =	swait.ge [sflag:s15], $0x2000  }
0x137: {  	[sflag:s15] =	ssyncset.done $0x0  }
0x138: {  	[sflag:s15] =	ssyncadd.s32 $0xFFFFE000  }
0x139: {  	[tilespmem:s16], [sflag:$0x2] =	stream.indirect.gather [hbm4b:s3+s13], $0x40, s26, s13, $0xb8;
	[tilespmem:$0xF280] =	vst v63  }
0x13a: {  	_ = 	snop  }
0x13b: {  	[spmem:s1] =	stream.indirect.scatter.add.f32 [tilespmem:s14], [sflag:$0x3], $0x40, s28, s13, $0xb8;
	[tilespmem:$0xF280] =	vst v63  }
0x13c: {  	_ =	swait.ge [sflag:s11], $0x2000  }
0x13d: {  	[sflag:s11] =	ssyncset.done $0x0  }
0x13e: {  	[sflag:s11] =	ssyncadd.s32 $0xFFFFE000  }
0x13f: {  	_ =	swait.ge [sflag:s17], $0x2000  }
0x140: {  	[sflag:s17] =	ssyncset.done $0x0  }
0x141: {  	[sflag:s17] =	ssyncadd.s32 $0xFFFFE000  }
0x142: {  	[tilespmem:s14], [sflag:$0x1] =	stream.indirect.gather [hbm4b:s3+s13], $0x40, s29, s13, $0xb8;
	[tilespmem:$0xF280] =	vst v63  }
0x143: {  	_ = 	snop  }
0x144: {  	[spmem:s1] =	stream.indirect.scatter.add.f32 [tilespmem:s16], [sflag:$0x3], $0x40, s30, s13, $0xb8;
	[tilespmem:$0xF280] =	vst v63  }
0x145: {  	_ =	swait.ge [sflag:s11], $0x2000  }
0x146: {  	[sflag:s11] =	ssyncset.done $0x0  }
0x147: {  	[sflag:s11] =	ssyncadd.s32 $0xFFFFE000  }
0x148: {  	_ =	swait.ge [sflag:s15], $0x2000  }
0x149: {  	[sflag:s15] =	ssyncset.done $0x0  }
0x14a: {  	[sflag:s15] =	ssyncadd.s32 $0xFFFFE000  }
0x14b: {  	[tilespmem:s16], [sflag:$0x2] =	stream.indirect.gather [hbm4b:s3+s13], $0x40, s31, s13, $0xb8;
	[tilespmem:$0xF280] =	vst v63  }
0x14c: {  	_ = 	snop  }
0x14d: {  	[spmem:s1] =	stream.indirect.scatter.add.f32 [tilespmem:s14], [sflag:$0x3], $0x40, s0, s13, $0xb8;
	[tilespmem:$0xF280] =	vst v63  }
0x14e: {  	_ =	swait.ge [sflag:s11], $0x2000  }
0x14f: {  	[sflag:s11] =	ssyncset.done $0x0  }
0x150: {  	[sflag:s11] =	ssyncadd.s32 $0xFFFFE000  }
0x151: {  	p1 =	sne.s32 s8, $0x1;
	_ =	swait.ge [sflag:s17], $0x2000  }
.Ltmp1:
0x152: {  	[sflag:s17] =	ssyncset.done $0x0;
	(pc) =	sbr.rel @p1 .LBB2_2-.Ltmp1, $4  }
0x153: {  	[sflag:s17] =	ssyncadd.s32 $0xFFFFE000  }
0x154: {  	[spmem:s1] =	stream.indirect.scatter.add.f32 [tilespmem:s16], [sflag:$0x3], $0x40, s4, s13, $0xb8;
	[tilespmem:$0xF280] =	vst v63  }
0x155: {  	_ =	swait.ge [sflag:s11], $0x2000  }
0x156: {  	s8 =	sadd.s32 $0xFFFFFFFF, s8;
	[sflag:s11] =	ssyncset.done $0x0  }
.LBB2_3:
0x157: {  	[sflag:s11] =	ssyncadd.s32 $0xFFFFE000  }
0x158: {  	[bflag:$0x0] =	sbarrier.arrive $0xFFFF  }
0x159: {  	s5 =	rddreg [dreg:$0x13]  }
0x15a: {  	s8 =	simm.s32 @!p0 $0x1C03;
	s7 =	rddreg [dreg:$0x17]  }
0x15b: {  	[hbm:s5], [sflag:s8] =	dma.local @!p0 [spmem:s7], $0x14500  }
0x15c: {  	s8 =	simm.s32 @!p0 $0x3  }
0x15d: {  	_ =	swait.ge @!p0 [sflag:s8], $0x14500  }
0x15e: {  	s6 =	sadd.s32 $0x1, s6;
	s10 =	rddreg [dreg:$0x14]  }
0x15f: {  	p1 =	sne.s32 s6, s10  }
.Ltmp2:
0x160: {  	_ = 	snop;
	(pc) =	sbr.rel @p1 .LBB2_1-.Ltmp2, $3  }
0x161: {  	_ =	sdelay $0x1  }
0x162: {  	[sflag:s8] =	ssyncset.done @!p0 $0x0  }
0x163: {  	[sflag:s8] =	ssyncadd.s32 @!p0 $0xFFFEBB00  }
0x164: {  	_ =	sfence.sel $0x180000  }
0x165: {  	[bflag:$0x0] =	sbarrier.arrive $0xFFFF  }
0x166: {  	_ =	strace $0x9000004D  }
0x167: {  	[bflag:$0x2] =	sbarrier.arrive $0xFFFF  }
0x168: {  	s0 =	rddreg [dreg:$0x2]  }
0x169: {  	s0 =	sadd.s32 @!p0 $0x100000, s0  }
0x16a: {  	[sflag:s0] =	ssyncadd.tile.s32 @!p0 $0x1;
	_ =	shalt  }
.Lfunc_end2:
_tile_overlayer_lowered:
.L_overlay_start_2:
0x16b: {  	(tag) =	ssettag $0x2  }
0x16c: {  	s0 =	rddreg [dreg:$0x0];
	s2 =	stileid.u32  }
0x16d: {  	s1 =	rddreg [dreg:$0x1];
	p0 =	sne.s32 s2, $0x0  }
0x16e: {  	s3 =	rddreg [dreg:$0x2];
	[bflag:$0x3] =	sbarrier.arrive $0xFFFF;
	s2 =	simm.s32 @!p0 $0x1C03  }
0x16f: {  	[timem:s3], [sflag:s2] =	dma.local @!p0 [hbm:s0], s1  }
0x170: {  	s0 =	simm.s32 @!p0 $0x3  }
0x171: {  	_ =	swait.ge @!p0 [sflag:s0], s1  }
0x172: {  	s1 =	ssub.s32 @!p0 $0x0, s1;
	[sflag:s0] =	ssyncset.done @!p0 $0x0  }
0x173: {  	[sflag:s0] =	ssyncadd.s32 @!p0 s1  }
0x174: {  	[bflag:$0x3] =	sbarrier.arrive $0xFFFF  }
0x175: {  	_ =	shalt  }

// kernel: kernel.9.cloned.1.call-start
scs
__scs_entry_jumppad:
0x0: {  	(pc) =	sbr.rel $0x88, $3  }
0x1: {  	(tag) =	ssettag $0x0;
	lr =	simm.s32 $0x1  }
0x2: {  	[smem:$0x3F99] =	sst lr;
	_ =	strace $0xD0000000  }
0x3: {  	_ = 	snop  }
0x4: {  	_ = 	snop  }
0x5: {  	_ = 	snop  }
0x6: {  	_ = 	snop  }
0x7: {  	_ = 	snop  }
__scs_overlays_trampoline_lowered:
0x8: {  	[smem:$0x3FA8] =	sst s0  }
0x9: {  	[smem:$0x3FA9] =	sst s1  }
0xa: {  	[smem:$0x3FAA] =	sst s2  }
0xb: {  	[smem:$0x3FAB] =	sst s3  }
0xc: {  	[smem:$0x3FAC] =	sst s4  }
0xd: {  	[smem:$0x3FAD] =	sst s5  }
0xe: {  	[smem:$0x3FAE] =	sst s6  }
0xf: {  	[smem:$0x3FAF] =	sst s7  }
0x10: {  	[smem:$0x3FB0] =	sst s8  }
0x11: {  	[smem:$0x3FB1] =	sst s9;
	s0 =	simm.s32 @!p0 $0x0  }
0x12: {  	s1 =	sld [smem:$0x3F97];
	s0 =	simm.s32 @p0 $0x1  }
0x13: {  	[smem:$0x3FB2] =	sst s0;
	s0 =	simm.s32 @!p1 $0x0  }
0x14: {  	s2 =	sld [smem:$0x3F96];
	s0 =	simm.s32 @p1 $0x1  }
0x15: {  	[smem:$0x3FB3] =	sst s0;
	s0 =	simm.s32 @!p2 $0x0  }
0x16: {  	s3 =	sld [smem:$0x3FDB];
	s0 =	simm.s32 @p2 $0x1  }
0x17: {  	s4 =	simm.s32 $0x1BF5;
	[smem:$0x3FB5] =	sst s0  }
0x18: {  	s0 =	sld [smem:$0x3F98];
	_ =	swait.ge [sflag:s4], $0x0  }
0x19: {  	s7 =	sld [smem:$0x3F99]  }
0x1a: {  	s8 =	sadd.s32 $0xFFFFE003, lr  }
0x1b: {  	s9 =	sadd.s32 $0xFFFFFEF7, lr;
	s5 =	simm.s32 $0xFFFFFFFF;
	p2 =	slt.u32 s8, $0xFFFFF086  }
0x1c: {  	p1 =	slt.u32 s9, $0xF7A;
	s5 =	simm.s32 @!p2 $0x0  }
0x1d: {  	s5 =	simm.s32 @p1 $0x1;
	p0 =	seq.s32 s7, s2  }
0x1e: {  	s7 =	smul.u32 @!p0 $0xF7A, s2;
	p2 =	seq.s32 @!p0 s5, $0x0  }
0x1f: {  	s9 =	smul.u32 $0xF7A, s1;
	s8 =	simm.s32 @!p0 $0x1BF5;
	p2 =	por !p2, p0  }
0x20: {  	[sflag:s8] =	ssyncset.s32 @!p0 $0xFFFFF086;
	s6 =	sadd.s32 @!p0 s3, s7;
	s7 =	simm.s32 @!p0 $0x108  }
0x21: {  	s3 =	sadd.s32 s3, s9;
	s6 =	sadd.s32 @!p0 $0x88, s6;
	s7 =	simm.s32 @p2 $0x1082  }
0x22: {  	[simem:s7], [sflag:s8] =	dma.local @!p0 [hbm:s6], $0xF7A  }
0x23: {  	s9 =	sor.u32 $0xD0000000, s2;
	s6 =	simm.s32 $0x108;
	_ =	swait.ge @!p0 [sflag:s8], $0x0  }
0x24: {  	s3 =	sadd.s32 $0x88, s3;
	s6 =	simm.s32 @!p1 $0x1082;
	[sflag:s4] =	ssyncset.s32 $0xFFFFF086  }
0x25: {  	[simem:s6], [sflag:s4] =	dma.local [hbm:s3], $0xF7A  }
0x26: {  	[smem:$0x3F99] =	sst s1;
	(tag) =	ssettag s2;
	_ =	strace s9  }
0x27: {  	s1 =	sld [smem:$0x3FA9]  }
0x28: {  	s2 =	sld [smem:$0x3FAA]  }
0x29: {  	s4 =	sld [smem:$0x3FAC]  }
0x2a: {  	p0 =	seq.s32 s5, $0x0;
	s5 =	sld [smem:$0x3FAD]  }
0x2b: {  	s6 =	sld [smem:$0x3FAE]  }
0x2c: {  	s7 =	sld [smem:$0x3FAF]  }
0x2d: {  	s3 =	simm.s32 $0x108;
	s8 =	sld [smem:$0x3FB0]  }
0x2e: {  	s3 =	simm.s32 @!p0 $0x1082;
	s9 =	sld [smem:$0x3FB1]  }
0x2f: {  	lr =	sadd.s32 s0, s3;
	s0 =	sld [smem:$0x3FA8]  }
0x30: {  	s3 =	sld [smem:$0x3FAB]  }
0x31: {  	[smem:$0x3FB4] =	sst s10  }
0x32: {  	s10 =	sld [smem:$0x3FB2];
	_ =	sdelay $0x3  }
0x33: {  	p0 =	seq.s32 s10, $0x1;
	s10 =	sld [smem:$0x3FB4];
	_ =	sdelay $0x3  }
0x34: {  	[smem:$0x3FB4] =	sst s10  }
0x35: {  	s10 =	sld [smem:$0x3FB3];
	_ =	sdelay $0x3  }
0x36: {  	p1 =	seq.s32 s10, $0x1;
	s10 =	sld [smem:$0x3FB4];
	_ =	sdelay $0x3  }
0x37: {  	[smem:$0x3FB4] =	sst s10  }
0x38: {  	s10 =	sld [smem:$0x3FB5]  }
0x39: {  	_ = 	snop;
	(pc) =	sbr.ind lr, $3  }
0x3a: {  	_ = 	snop  }
0x3b: {  	_ = 	snop  }
0x3c: {  	p2 =	seq.s32 s10, $0x1;
	s10 =	sld [smem:$0x3FB4]  }
0x3d: {  	_ =	shalt  }
0x3e: {  	_ =	shalt  }
0x3f: {  	_ =	shalt  }
0x40: {  	_ =	shalt  }
0x41: {  	_ =	shalt  }
0x42: {  	_ =	shalt  }
0x43: {  	_ =	shalt  }
0x44: {  	_ =	shalt  }
0x45: {  	_ =	shalt  }
0x46: {  	_ =	shalt  }
0x47: {  	_ =	shalt  }
0x48: {  	_ =	shalt  }
0x49: {  	_ =	shalt  }
0x4a: {  	_ =	shalt  }
0x4b: {  	_ =	shalt  }
0x4c: {  	_ =	shalt  }
0x4d: {  	_ =	shalt  }
0x4e: {  	_ =	shalt  }
0x4f: {  	_ =	shalt  }
0x50: {  	_ =	shalt  }
0x51: {  	_ =	shalt  }
0x52: {  	_ =	shalt  }
0x53: {  	_ =	shalt  }
0x54: {  	_ =	shalt  }
0x55: {  	_ =	shalt  }
0x56: {  	_ =	shalt  }
0x57: {  	_ =	shalt  }
0x58: {  	_ =	shalt  }
0x59: {  	_ =	shalt  }
0x5a: {  	_ =	shalt  }
0x5b: {  	_ =	shalt  }
0x5c: {  	_ =	shalt  }
0x5d: {  	_ =	shalt  }
0x5e: {  	_ =	shalt  }
0x5f: {  	_ =	shalt  }
0x60: {  	_ =	shalt  }
0x61: {  	_ =	shalt  }
0x62: {  	_ =	shalt  }
0x63: {  	_ =	shalt  }
0x64: {  	_ =	shalt  }
0x65: {  	_ =	shalt  }
0x66: {  	_ =	shalt  }
0x67: {  	_ =	shalt  }
0x68: {  	_ =	shalt  }
0x69: {  	_ =	shalt  }
0x6a: {  	_ =	shalt  }
0x6b: {  	_ =	shalt  }
0x6c: {  	_ =	shalt  }
0x6d: {  	_ =	shalt  }
0x6e: {  	_ =	shalt  }
0x6f: {  	_ =	shalt  }
0x70: {  	_ =	shalt  }
0x71: {  	_ =	shalt  }
0x72: {  	_ =	shalt  }
0x73: {  	_ =	shalt  }
0x74: {  	_ =	shalt  }
0x75: {  	_ =	shalt  }
0x76: {  	_ =	shalt  }
0x77: {  	_ =	shalt  }
0x78: {  	_ =	shalt  }
0x79: {  	_ =	shalt  }
0x7a: {  	_ =	shalt  }
0x7b: {  	_ =	shalt  }
0x7c: {  	_ =	shalt  }
0x7d: {  	_ =	shalt  }
0x7e: {  	_ =	shalt  }
0x7f: {  	_ =	shalt  }
0x80: {  	_ =	shalt  }
0x81: {  	_ =	shalt  }
0x82: {  	_ =	shalt  }
0x83: {  	_ =	shalt  }
0x84: {  	_ =	shalt  }
0x85: {  	_ =	shalt  }
0x86: {  	_ =	shalt  }
0x87: {  	_ =	shalt  }
.Lfunc_end0:
.L_simem_size_0:
called_computation_lowered:
.L_overlay_start_0:
0x88: {  	s2 =	sld [smem:$0x3FD9]  }
0x89: {  	s3 =	sld [smem:$0x3FFE];
	_ =	sdelay $0x1  }
0x8a: {  	s1 =	srdreg.scid  }
0x8b: {  	s0 =	sand.u32 $0x1, s1  }
0x8c: {  	s16 =	sshll.u32 s0, $0xA;
	s2 =	sadd.s32 s3, s2  }
0x8d: {  	s2 =	sadd.s32 s2, s16  }
0x8e: {  	[smem:$0x3FC0] =	sst s2  }
0x8f: {  	_ = 	snop  }
0x90: {  	(tm) =	ssettm $0x1  }
0x91: {  	s17 =	sld [smem:$0x3FFB];
	_ =	sdelay $0x3  }
0x92: {  	_ =	strace s17  }
0x93: {  	s2 =	sld [smem:$0x3FFC];
	_ =	sdelay $0x3  }
0x94: {  	_ =	strace s2  }
0x95: {  	s2 =	sld [smem:$0x3FFD];
	_ =	sdelay $0x3  }
0x96: {  	_ =	strace s2  }
0x97: {  	_ =	strace $0x8FFFFFFF  }
0x98: {  	s18 =	sld [smem:$0x3FDB];
	_ =	sdelay $0x1  }
0x99: {  	s19 =	simm.s32 $_scs_section_size  }
0x9a: {  	s4 =	simm.s32 $_size__tile_overlayer_lowered;
	s5 =	simm.s32 $_tile_overlayer_lowered  }
0x9b: {  	s22 =	simm.s32 $0x1BFF;
	s21 =	sshll.u32 s5, $0x1;
	s2 =	sadd.s32 s19, s18  }
0x9c: {  	s6 =	simm.s32 $0x0;
	s20 =	sshll.u32 s4, $0x1;
	s4 =	sadd.s32 s21, s2  }
0x9d: {  	[timem:s6], [sflag:s22] =	dma.local [hbm:s4], s20  }
0x9e: {  	_ =	swait.ge [sflag:s22], s20  }
0x9f: {  	s3 =	ssub.s32 $0x0, s20;
	[sflag:s22] =	ssyncset.done $0x0  }
0xa0: {  	[sflag:s22] =	ssyncadd.s32 s3;
	_ =	sdelay $0x1  }
0xa1: {  	s23 =	simm.s32 $0x1B8B  }
0xa2: {  	_ =	swait.ge [sflag:s23], $0x1  }
0xa3: {  	[sflag:s23] =	ssyncset.done $0x0  }
0xa4: {  	s25 =	simm.s32 $0x1B8E;
	s24 =	sld [smem:$0x3FFE];
	[sflag:s23] =	ssyncadd.s32 $0xFFFFFFFF  }
0xa5: {  	s26 =	simm.s32 $execute0_lowered;
	[smem:$0x3FD2] =	sst s25  }
0xa6: {  	s4 =	sshll.u32 s26, $0x1;
	_ =	strace $0x80000046;
	[dreg:$0x1] =	wrdreg $0xFFFFFFFF  }
0xa7: {  	s28 =	simm.s32 $_size_execute0_lowered;
	s2 =	sadd.s32 s2, s4;
	[dreg:$0x0] =	wrdreg $0x0  }
0xa8: {  	s4 =	sshll.u32 s28, $0x1;
	[dreg:$0x2] =	wrdreg s2  }
0xa9: {  	[dreg:$0x3] =	wrdreg s4  }
0xaa: {  	[dreg:$0x4] =	wrdreg $0xC0  }
0xab: {  	_ =	task [dreg:s6], $0x5FFFF  }
0xac: {  	[dreg:$0x1] =	wrdreg $0xFFFFFFFF  }
0xad: {  	[dreg:$0x0] =	wrdreg $0x60  }
0xae: {  	[dreg:$0x2] =	wrdreg s24  }
0xaf: {  	[dreg:$0x3] =	wrdreg $0x50800  }
0xb0: {  	[dreg:$0x4] =	wrdreg $0x9  }
0xb1: {  	_ =	task.clear_ibuf [dreg:s6], $0x5FFFF;
	_ =	strace $0x90000046  }
0xb2: {  	s29 =	simm.s32 $0x9;
	_ =	strace $0x80000048  }
0xb3: {  	_ =	swait.ge [sflag:s29], $0x1  }
0xb4: {  	[sflag:s29] =	ssyncadd.s32 $0xFFFFFFFF  }
0xb5: {  	_ =	strace $0x90000048  }
0xb6: {  	_ =	sfence  }
0xb7: {  	s30 =	sld [smem:$0x0];
	_ =	sdelay $0x2  }
0xb8: {  	s31 =	sshll.u32 s1, $0xD;
	s1 =	sshrl.u32 s1, $0x2  }
0xb9: {  	s3 =	sand.u32 $0x4000, s31;
	s1 =	sadd.s32 s1, s30  }
0xba: {  	s0 =	sor.u32 s3, s0;
	s1 =	sshll.u32 s1, $0x11  }
0xbb: {  	s0 =	sor.u32 s1, s0  }
0xbc: {  	s0 =	sadd.s32 $0x8F2B, s0  }
0xbd: {  	[sflag:s0] =	ssyncadd.remote.s32 $0x1  }
0xbe: {  	_ =	sfence.sel $0xFFFF  }
0xbf: {  	[dreg:$0x0] =	wrdreg $0xFFFFFFFF;
	(pc) =	sbr.abs _section_cstart, $3  }
0xc0: {  	[dreg:$0x1] =	wrdreg $0xFFFFFFFF  }
0xc1: {  	_ =	task.clear_ibuf [dreg:s6], $0x2FFFF;
	_ =	strace $0x9FFFFFFF  }
0xc2: {  	(tm) =	ssettm $0x7FFFFFFF  }
0xc3: {  	_ =	shalt  }
tec
execute0_lowered:
.L_overlay_start_1:
0x0: {  	(tag) =	ssettag $0x1  }
0x1: {  	s4 =	srdreg.scid  }
0x2: {  	s5 =	sand.u32 $0x1, s4  }
0x3: {  	p1 =	seq.s32 s5, $0x1  }
.Ltmp0:
0x4: {  	_ = 	snop;
	(pc) =	sbr.rel @p1 .LBB2_4-.Ltmp0, $4  }
0x5: {  	s3 =	rddreg [dreg:$0x0]  }
0x6: {  	s1 =	rddreg [dreg:$0x1];
	s2 =	simm.s32 $0x0  }
0x7: {  	[smem:$0x7FF] =	sst s2;
	s4 =	stileid.u32  }
0x8: {  	s0 =	rddreg [dreg:$0x2];
	_ =	strace $0x80000047;
	p0 =	sne.s32 s4, $0x0  }
0x9: {  	s4 =	smul.u32 $0xA00, s4  }
0xa: {  	s5 =	sadd.s32 $0x1200, s3  }
0xb: {  	s4 =	sadd.s32 s5, s4  }
0xc: {  	[tilespmem:s2], [sflag:$0x1] =	stream.linear.gather [hbm4b:s4+s2], $0x5000, $0x38;
	[tilespmem:$0x5310] =	vst v63  }
0xd: {  	s2 =	simm.s32 $0x1  }
0xe: {  	_ =	swait.ge [sflag:s2], $0x5000  }
0xf: {  	[sflag:s2] =	ssyncset.done $0x0  }
0x10: {  	v0 =	vimm.f32 $1.000000000e+00;
	[sflag:s2] =	ssyncadd.s32 $0xFFFFB000  }
0x11: {  	[tilespmem:$0x5000] =	vst v0  }
0x12: {  	[tilespmem:$0x5010] =	vst v0  }
0x13: {  	[tilespmem:$0x5020] =	vst v0  }
0x14: {  	[tilespmem:$0x5030] =	vst v0  }
0x15: {  	[tilespmem:$0x5040] =	vst v0  }
0x16: {  	[tilespmem:$0x5050] =	vst v0  }
0x17: {  	[tilespmem:$0x5060] =	vst v0  }
0x18: {  	s6 =	simm.s32 @!p0 $0x1C01;
	s5 =	sadd.s32 $0xB200, s3;
	s4 =	sshrl.u32 @!p0 s1, $0x3;
	[tilespmem:$0x5070] =	vst v0  }
0x19: {  	[spmem:s4], [sflag:s6] =	dma.local @!p0 [hbm:s5], $0x520  }
0x1a: {  	s5 =	simm.s32 @!p0 $0x1  }
0x1b: {  	_ =	swait.ge @!p0 [sflag:s5], $0x520  }
0x1c: {  	[sflag:s5] =	ssyncset.done @!p0 $0x0  }
0x1d: {  	s7 =	simm.s32 $0x0;
	[sflag:s5] =	ssyncadd.s32 @!p0 $0xFFFFFAE0  }
0x1e: {  	s6 =	simm.s32 $0x5000;
	s5 =	simm.s32 $0x80;
	[bflag:$0x0] =	sbarrier.arrive $0xFFFF  }
0x1f: {  	[spmem:s1] =	stream.indirect.scatter.add.f32 [tilespmem:s6], [sflag:$0x1], $0x1, s7, s5, $0xb8;
	[tilespmem:$0x5310] =	vst v63  }
0x20: {  	_ =	swait.ge [sflag:s2], $0x80  }
0x21: {  	s3 =	sadd.s32 $0xB800, s3;
	s7 =	simm.s32 $0x200;
	[sflag:s2] =	ssyncset.done $0x0  }
.LBB2_2:
0x22: {  	s8 =	sshra.s32 s7, $0x2;
	[sflag:s2] =	ssyncadd.s32 $0xFFFFFF80;
	p1 =	sne.s32 s7, $0x13E00  }
0x23: {  	[spmem:s1] =	stream.indirect.scatter.add.f32 [tilespmem:s6], [sflag:$0x1], $0x1, s8, s5, $0xb8;
	[tilespmem:$0x5310] =	vst v63  }
.Ltmp1:
0x24: {  	_ = 	snop;
	(pc) =	sbr.rel @p1 .LBB2_2-.Ltmp1, $4  }
0x25: {  	_ = 	snop  }
0x26: {  	s7 =	sadd.s32 $0x200, s7  }
0x27: {  	_ =	swait.ge [sflag:s2], $0x80  }
0x28: {  	[sflag:s2] =	ssyncset.done $0x0  }
0x29: {  	[sflag:s2] =	ssyncadd.s32 $0xFFFFFF80  }
0x2a: {  	s1 =	simm.s32 @!p0 $0x1C01;
	[bflag:$0x0] =	sbarrier.arrive $0xFFFF  }
0x2b: {  	[hbm:s3], [sflag:s1] =	dma.local @!p0 [spmem:s4], $0x520  }
0x2c: {  	s1 =	simm.s32 @!p0 $0x1  }
0x2d: {  	_ =	swait.ge @!p0 [sflag:s1], $0x520  }
0x2e: {  	[sflag:s1] =	ssyncset.done @!p0 $0x0  }
0x2f: {  	[sflag:s1] =	ssyncadd.s32 @!p0 $0xFFFFFAE0  }
.LBB2_4:
0x30: {  	_ =	sfence.sel $0x180000  }
0x31: {  	[bflag:$0x0] =	sbarrier.arrive $0xFFFF  }
0x32: {  	_ =	strace $0x90000047  }
0x33: {  	s0 =	sadd.s32 @!p0 $0x100000, s0;
	[bflag:$0x2] =	sbarrier.arrive $0xFFFF  }
0x34: {  	[sflag:s0] =	ssyncadd.tile.s32 @!p0 $0x1;
	_ =	shalt  }
.Lfunc_end2:
_tile_overlayer_lowered:
.L_overlay_start_2:
0x35: {  	(tag) =	ssettag $0x2  }
0x36: {  	s0 =	rddreg [dreg:$0x0];
	s2 =	stileid.u32  }
0x37: {  	s1 =	rddreg [dreg:$0x1];
	p0 =	sne.s32 s2, $0x0  }
0x38: {  	s3 =	rddreg [dreg:$0x2];
	[bflag:$0x3] =	sbarrier.arrive $0xFFFF;
	s2 =	simm.s32 @!p0 $0x1C01  }
0x39: {  	[timem:s3], [sflag:s2] =	dma.local @!p0 [hbm:s0], s1  }
0x3a: {  	s0 =	simm.s32 @!p0 $0x1  }
0x3b: {  	_ =	swait.ge @!p0 [sflag:s0], s1  }
0x3c: {  	s1 =	ssub.s32 @!p0 $0x0, s1;
	[sflag:s0] =	ssyncset.done @!p0 $0x0  }
0x3d: {  	[sflag:s0] =	ssyncadd.s32 @!p0 s1  }
0x3e: {  	[bflag:$0x3] =	sbarrier.arrive $0xFFFF  }
0x3f: {  	_ =	shalt  }

</sc_bundles>
